<compile_context>
chip_gen: v7x
topology: tpu7x:2x2x1
jax: 0.10.2.dev20260603
libtpu: 0.0.44.dev20260713+nightly
codegen_flags: <defaults>
</compile_context>

<pallas_src>
import jax
import jax.numpy as jnp
from jax.experimental import pallas as pl
from jax.experimental.pallas import tpu as pltpu

N = 8192
H = 128
W = 128
TANFOVX = 0.5
TANFOVY = 0.5
SCALE_MOD = 1.0
FX = W / (2.0 * TANFOVX)
FY = H / (2.0 * TANFOVY)

NQ = 4
QH = H // NQ


def _cov3d(scales, rotations):
    q = rotations / jnp.linalg.norm(rotations, axis=1, keepdims=True)
    r, x, y, z = q[:, 0], q[:, 1], q[:, 2], q[:, 3]
    R = jnp.stack([1 - 2 * (y * y + z * z), 2 * (x * y - r * z), 2 * (x * z + r * y),
                   2 * (x * y + r * z), 1 - 2 * (x * x + z * z), 2 * (y * z - r * x),
                   2 * (x * z - r * y), 2 * (y * z + r * x), 1 - 2 * (x * x + y * y)],
                  axis=1).reshape(-1, 3, 3)
    M = R * (scales * SCALE_MOD)[:, None, :]
    return M @ jnp.swapaxes(M, 1, 2)


def _project(means3D, opacities, scales, rotations):
    t = means3D
    depth = t[:, 2]
    visible = depth > 0.2
    tz = jnp.where(visible, depth, 1.0)
    limx = 1.3 * TANFOVX
    limy = 1.3 * TANFOVY
    tx = jnp.clip(t[:, 0] / tz, -limx, limx) * tz
    ty = jnp.clip(t[:, 1] / tz, -limy, limy) * tz
    cov3d = _cov3d(scales, rotations)
    Nn = t.shape[0]
    J = jnp.zeros((Nn, 2, 3), dtype=jnp.float32)
    J = J.at[:, 0, 0].set(FX / tz).at[:, 0, 2].set(-FX * tx / (tz * tz))
    J = J.at[:, 1, 1].set(FY / tz).at[:, 1, 2].set(-FY * ty / (tz * tz))
    cov2d = jnp.einsum('nij,njk,nlk->nil', J, cov3d, J)
    a = cov2d[:, 0, 0] + 0.3
    c_ = cov2d[:, 1, 1] + 0.3
    b = cov2d[:, 0, 1]
    det = a * c_ - b * b
    det_ok = det > 0
    det_s = jnp.where(det_ok, det, 1.0)
    conic_a = c_ / det_s
    conic_b = -b / det_s
    conic_c = a / det_s
    px = (t[:, 0] / (tz * TANFOVX) + 1.0) * 0.5 * W - 0.5
    py = (t[:, 1] / (tz * TANFOVY) + 1.0) * 0.5 * H - 0.5
    mid = 0.5 * (a + c_)
    lam1 = mid + jnp.sqrt(jnp.maximum(mid * mid - det_s, 0.1))
    radii = jnp.where(visible & det_ok, jnp.ceil(3.0 * jnp.sqrt(lam1)), 0.0).astype(jnp.int32)
    valid = visible & det_ok & (radii > 0)
    op = jnp.where(valid, opacities[:, 0], 0.0)
    return px, py, conic_a, conic_b, conic_c, op, depth, lam1, radii, valid


def _render_body(par_ref, qb_ref, color_ref, T_ref, o0_ref, o1_ref, o2_ref):
    T_ref[...] = jnp.ones((H, W), jnp.float32)
    o0_ref[...] = jnp.zeros((H, W), jnp.float32)
    o1_ref[...] = jnp.zeros((H, W), jnp.float32)
    o2_ref[...] = jnp.zeros((H, W), jnp.float32)

    def body(g, _):
        px = par_ref[0, g]
        py = par_ref[1, g]
        A = par_ref[2, g]
        B = par_ref[3, g]
        C = par_ref[4, g]
        op = par_ref[5, g]
        d = par_ref[6, g]
        f2 = par_ref[7, g]
        qlo = qb_ref[0, g]
        qhi = qb_ref[1, g]

        def qstep(r, __):
            base = pl.multiple_of(r * QH, QH)
            ys = (jax.lax.broadcasted_iota(jnp.int32, (QH, W), 0) + base
                  ).astype(jnp.float32)
            xs = jax.lax.broadcasted_iota(jnp.int32, (QH, W), 1).astype(jnp.float32)
            dx = xs - px
            dy = ys - py
            power = dx * (A * dx + B * dy) + C * (dy * dy)
            alpha = jnp.minimum(0.99, op * jnp.exp(power))
            alpha = jnp.where((power <= 0.0) & (alpha >= 1.0 / 255.0), alpha, 0.0)
            T = T_ref[pl.ds(base, QH), :]
            w = T * alpha
            o0_ref[pl.ds(base, QH), :] += w * d
            o1_ref[pl.ds(base, QH), :] += w
            o2_ref[pl.ds(base, QH), :] += w * f2
            T_ref[pl.ds(base, QH), :] = T * (1.0 - alpha)
            return 0

        jax.lax.fori_loop(qlo, qhi + 1, qstep, 0)
        return 0

    jax.lax.fori_loop(0, N, body, 0)
    color_ref[0] = o0_ref[...]
    color_ref[1] = o1_ref[...]
    color_ref[2] = o2_ref[...]


def kernel(means3D, means2D, opacities, scales, rotations):
    px, py, ca, cb, cc, op, depth, lam1, radii, valid = _project(
        means3D, opacities, scales, rotations)
    sortkey = jnp.where(valid, depth, jnp.inf)
    order = jnp.argsort(sortkey)
    f2 = 1.0 / (1.0 + jnp.maximum(depth, 0.0))
    pars = jnp.stack([px[order], py[order], (-0.5 * ca)[order], (-cb)[order],
                      (-0.5 * cc)[order], op[order], depth[order],
                      f2[order]])

    op_s = pars[5]
    py_s = pars[1]
    lam1_s = lam1[order]
    r_cut = jnp.sqrt(jnp.maximum(2.0 * lam1_s * jnp.log(255.0 * op_s), 0.0)) + 1.0
    never = op_s * 255.0 <= 1.0
    qlo = jnp.clip(jnp.floor((py_s - r_cut) / QH), 0, NQ - 1).astype(jnp.int32)
    qhi = jnp.clip(jnp.floor((py_s + r_cut) / QH), 0, NQ - 1).astype(jnp.int32)
    offscreen = (py_s + r_cut < 0.0) | (py_s - r_cut > H - 1)
    skip = never | offscreen
    qlo = jnp.where(skip, 1, qlo)
    qhi = jnp.where(skip, 0, qhi)
    qb = jnp.stack([qlo, qhi])

    color = pl.pallas_call(
        _render_body,
        in_specs=[pl.BlockSpec(memory_space=pltpu.SMEM),
                  pl.BlockSpec(memory_space=pltpu.SMEM)],
        out_shape=jax.ShapeDtypeStruct((3, H, W), jnp.float32),
        scratch_shapes=[pltpu.VMEM((H, W), jnp.float32)] * 4,
    )(pars, qb)
    return color, radii

# --- scband reference (transcript-rebuilt; emitter-appended) ---
"""Pipeline reference for scband-gaussian-rasterizer-20555713479405 (READ-ONLY COPY).

The authoritative reference and input builder live on the scoring server;
editing this copy changes nothing except your own understanding.
"""

import jax, jax.numpy as jnp
import numpy as np

N = 8192
H = 128
W = 128
TANFOVX = 0.5
TANFOVY = 0.5
SCALE_MOD = 1.0
FX = W / (2.0 * TANFOVX)
FY = H / (2.0 * TANFOVY)
CH = 1024


def setup_inputs(seed: int = 0):
    key = jax.random.key(seed)
    k1, k2, k3, k4 = jax.random.split(key, 4)
    means3D = jax.random.normal(k1, (N, 3), dtype=jnp.float32)
    means3D = means3D.at[:, 2].set(means3D[:, 2] * 0.8 + 4.0)
    means2D = jnp.zeros((N, 3), dtype=jnp.float32)
    opacities = jax.random.uniform(k2, (N, 1), dtype=jnp.float32)
    scales = jax.random.uniform(k3, (N, 3), dtype=jnp.float32) * 0.05 + 0.005
    rotations = jax.random.normal(k4, (N, 4), dtype=jnp.float32)
    return {"means3D": means3D, "means2D": means2D, "opacities": opacities, "scales": scales, "rotations": rotations}


def _build_cov3d(scales, rotations):
    q = rotations / jnp.linalg.norm(rotations, axis=1, keepdims=True)
    r, x, y, z = q[:, 0], q[:, 1], q[:, 2], q[:, 3]
    R = jnp.stack([1 - 2 * (y * y + z * z), 2 * (x * y - r * z), 2 * (x * z + r * y),
                   2 * (x * y + r * z), 1 - 2 * (x * x + z * z), 2 * (y * z - r * x),
                   2 * (x * z - r * y), 2 * (y * z + r * x), 1 - 2 * (x * x + y * y)], axis=1).reshape(-1, 3, 3)
    M = R * (scales * SCALE_MOD)[:, None, :]
    return M @ jnp.swapaxes(M, 1, 2)


def _forward(means3D, means2D, opacities, scales, rotations):
    # viewmatrix = identity, camera at origin looking down +z (EWA splatting)
    t = means3D
    depth = t[:, 2]
    visible = depth > 0.2
    tz = jnp.where(visible, depth, 1.0)
    limx = 1.3 * TANFOVX
    limy = 1.3 * TANFOVY
    tx = jnp.clip(t[:, 0] / tz, -limx, limx) * tz
    ty = jnp.clip(t[:, 1] / tz, -limy, limy) * tz
    cov3d = _build_cov3d(scales, rotations)
    Nn = t.shape[0]
    J = jnp.zeros((Nn, 2, 3), dtype=jnp.float32)
    J = J.at[:, 0, 0].set(FX / tz).at[:, 0, 2].set(-FX * tx / (tz * tz))
    J = J.at[:, 1, 1].set(FY / tz).at[:, 1, 2].set(-FY * ty / (tz * tz))
    cov2d = jnp.einsum('nij,njk,nlk->nil', J, cov3d, J)
    a = cov2d[:, 0, 0] + 0.3
    c_ = cov2d[:, 1, 1] + 0.3
    b = cov2d[:, 0, 1]
    det = a * c_ - b * b
    det_ok = det > 0
    det_s = jnp.where(det_ok, det, 1.0)
    conic_a = c_ / det_s
    conic_b = -b / det_s
    conic_c = a / det_s
    px = (t[:, 0] / (tz * TANFOVX) + 1.0) * 0.5 * W - 0.5
    py = (t[:, 1] / (tz * TANFOVY) + 1.0) * 0.5 * H - 0.5
    mid = 0.5 * (a + c_)
    lam1 = mid + jnp.sqrt(jnp.maximum(mid * mid - det_s, 0.1))
    radii = jnp.where(visible & det_ok, jnp.ceil(3.0 * jnp.sqrt(lam1)), 0.0).astype(jnp.int32)
    valid = visible & det_ok & (radii > 0)
    op = jnp.where(valid, opacities[:, 0], 0.0)
    # global front-to-back depth sort (binning stage)
    order = jnp.argsort(jnp.where(valid, depth, jnp.inf))
    px_s = px[order]; py_s = py[order]
    ca = conic_a[order]; cb = conic_b[order]; cc = conic_c[order]
    op_s = op[order]; d_s = depth[order]
    # mode-dependent per-gaussian channels: [depth, alpha accum, inverse depth]
    feat = jnp.stack([d_s, jnp.ones_like(d_s), 1.0 / (1.0 + jnp.maximum(d_s, 0.0))], axis=1)
    ys, xs = jnp.meshgrid(jnp.arange(H, dtype=jnp.float32), jnp.arange(W, dtype=jnp.float32), indexing='ij')
    pix = jnp.stack([xs.reshape(-1), ys.reshape(-1)], axis=1)

    def render_chunk(pc):
        dx = pc[None, :, 0] - px_s[:, None]
        dy = pc[None, :, 1] - py_s[:, None]
        power = -0.5 * (ca[:, None] * dx * dx + cc[:, None] * dy * dy) - cb[:, None] * dx * dy
        alpha = jnp.minimum(0.99, op_s[:, None] * jnp.exp(power))
        alpha = jnp.where((power <= 0.0) & (alpha >= 1.0 / 255.0), alpha, 0.0)
        Tcp = jnp.cumprod(1.0 - alpha, axis=0)
        T = jnp.concatenate([jnp.ones((1, alpha.shape[1]), dtype=alpha.dtype), Tcp[:-1]], axis=0)
        return feat.T @ (T * alpha)

    chunks = pix.reshape(-1, CH, 2)
    out = jax.lax.map(render_chunk, chunks)
    color = jnp.transpose(out, (1, 0, 2)).reshape(3, H, W)
    return color, radii


def reference(means3D, means2D, opacities, scales, rotations):
    return _forward(means3D, means2D, opacities, scales, rotations)

if __name__ == "__main__":
    import jax
    _d = setup_inputs()
    print(jax.jit(kernel)(*tuple(_d.values())))

</pallas_src>

<mosaic_0001>
module attributes {stable_mosaic.version = 14 : i64} {
  func.func @_render_body(%arg0: memref<8x8192xf32, #tpu.memory_space<smem>>, %arg1: memref<2x8192xi32, #tpu.memory_space<smem>>, %arg2: memref<3x128x128xf32, #tpu.memory_space<vmem>>, %arg3: memref<128x128xf32, #tpu.memory_space<vmem>>, %arg4: memref<128x128xf32, #tpu.memory_space<vmem>>, %arg5: memref<128x128xf32, #tpu.memory_space<vmem>>, %arg6: memref<128x128xf32, #tpu.memory_space<vmem>>) attributes {dimension_semantics = [], scalar_prefetch = 0 : i64, scratch_operands = 4 : i64, tpu.core_type = #tpu.core_type<tc>} {
    %broadcast_in_dim3A = arith.constant 1.000000e+00 : f32
    %broadcast_in_dim3A_0 = vector.broadcast %broadcast_in_dim3A : f32 to vector<128x128xf32>
    %swap3A = arith.constant 0 : index
    %swap3A_1 = arith.constant 0 : index
    %swap3A_2 = vector.load %arg3[%swap3A, %swap3A_1] : memref<128x128xf32, #tpu.memory_space<vmem>>, vector<128x128xf32>
    tpu.vector_store %arg3[%swap3A, %swap3A_1], %broadcast_in_dim3A_0 {strides = array<i32>} : memref<128x128xf32, #tpu.memory_space<vmem>>, vector<128x128xf32>,
    %broadcast_in_dim3A_3 = arith.constant 0.000000e+00 : f32
    %broadcast_in_dim3A_4 = vector.broadcast %broadcast_in_dim3A_3 : f32 to vector<128x128xf32>
    %swap3A_5 = arith.constant 0 : index
    %swap3A_6 = arith.constant 0 : index
    %swap3A_7 = vector.load %arg4[%swap3A_5, %swap3A_6] : memref<128x128xf32, #tpu.memory_space<vmem>>, vector<128x128xf32>
    tpu.vector_store %arg4[%swap3A_5, %swap3A_6], %broadcast_in_dim3A_4 {strides = array<i32>} : memref<128x128xf32, #tpu.memory_space<vmem>>, vector<128x128xf32>,
    %broadcast_in_dim3A_8 = arith.constant 0.000000e+00 : f32
    %broadcast_in_dim3A_9 = vector.broadcast %broadcast_in_dim3A_8 : f32 to vector<128x128xf32>
    %swap3A_10 = arith.constant 0 : index
    %swap3A_11 = arith.constant 0 : index
    %swap3A_12 = vector.load %arg5[%swap3A_10, %swap3A_11] : memref<128x128xf32, #tpu.memory_space<vmem>>, vector<128x128xf32>
    tpu.vector_store %arg5[%swap3A_10, %swap3A_11], %broadcast_in_dim3A_9 {strides = array<i32>} : memref<128x128xf32, #tpu.memory_space<vmem>>, vector<128x128xf32>,
    %broadcast_in_dim3A_13 = arith.constant 0.000000e+00 : f32
    %broadcast_in_dim3A_14 = vector.broadcast %broadcast_in_dim3A_13 : f32 to vector<128x128xf32>
    %swap3A_15 = arith.constant 0 : index
    %swap3A_16 = arith.constant 0 : index
    %swap3A_17 = vector.load %arg6[%swap3A_15, %swap3A_16] : memref<128x128xf32, #tpu.memory_space<vmem>>, vector<128x128xf32>
    tpu.vector_store %arg6[%swap3A_15, %swap3A_16], %broadcast_in_dim3A_14 {strides = array<i32>} : memref<128x128xf32, #tpu.memory_space<vmem>>, vector<128x128xf32>,
    %scan3A = arith.constant 0 : i32
    %scan3A_18 = arith.constant 8192 : i32
    %scan3A_19 = arith.addi %scan3A, %scan3A_18 : i32
    %scan3A_20 = arith.constant 1 : i32
    scf.for %scan3A_48 = %scan3A to %scan3A_19 step %scan3A_20  : i32 {
      %get3A_49 = arith.constant 0 : index
      %get3A_50 = arith.index_cast %scan3A_48 : i32 to index
      %get3A_51 = memref.load %arg0[%get3A_49, %get3A_50] : memref<8x8192xf32, #tpu.memory_space<smem>>
      %get3A_52 = arith.constant 1 : index
      %get3A_53 = arith.index_cast %scan3A_48 : i32 to index
      %get3A_54 = memref.load %arg0[%get3A_52, %get3A_53] : memref<8x8192xf32, #tpu.memory_space<smem>>
      %get3A_55 = arith.constant 2 : index
      %get3A_56 = arith.index_cast %scan3A_48 : i32 to index
      %get3A_57 = memref.load %arg0[%get3A_55, %get3A_56] : memref<8x8192xf32, #tpu.memory_space<smem>>
      %get3A_58 = arith.constant 3 : index
      %get3A_59 = arith.index_cast %scan3A_48 : i32 to index
      %get3A_60 = memref.load %arg0[%get3A_58, %get3A_59] : memref<8x8192xf32, #tpu.memory_space<smem>>
      %get3A_61 = arith.constant 4 : index
      %get3A_62 = arith.index_cast %scan3A_48 : i32 to index
      %get3A_63 = memref.load %arg0[%get3A_61, %get3A_62] : memref<8x8192xf32, #tpu.memory_space<smem>>
      %get3A_64 = arith.constant 5 : index
      %get3A_65 = arith.index_cast %scan3A_48 : i32 to index
      %get3A_66 = memref.load %arg0[%get3A_64, %get3A_65] : memref<8x8192xf32, #tpu.memory_space<smem>>
      %get3A_67 = arith.constant 6 : index
      %get3A_68 = arith.index_cast %scan3A_48 : i32 to index
      %get3A_69 = memref.load %arg0[%get3A_67, %get3A_68] : memref<8x8192xf32, #tpu.memory_space<smem>>
      %get3A_70 = arith.constant 7 : index
      %get3A_71 = arith.index_cast %scan3A_48 : i32 to index
      %get3A_72 = memref.load %arg0[%get3A_70, %get3A_71] : memref<8x8192xf32, #tpu.memory_space<smem>>
      %get3A_73 = arith.constant 0 : index
      %get3A_74 = arith.index_cast %scan3A_48 : i32 to index
      %get3A_75 = memref.load %arg1[%get3A_73, %get3A_74] : memref<2x8192xi32, #tpu.memory_space<smem>>
      %get3A_76 = arith.constant 1 : index
      %get3A_77 = arith.index_cast %scan3A_48 : i32 to index
      %get3A_78 = memref.load %arg1[%get3A_76, %get3A_77] : memref<2x8192xi32, #tpu.memory_space<smem>>
      %add3A = arith.constant 1 : i32
      %add3A_79 = arith.addi %get3A_78, %add3A : i32
      %while3A = arith.constant 0 : i32
      %while3A_80 = arith.subi %add3A_79, %get3A_75 : i32
      %while3A_81 = arith.addi %get3A_75, %while3A_80 : i32
      %while3A_82 = arith.constant 1 : i32
      %while3A_83 = arith.divsi %while3A_80, %while3A_82 : i32
      %while3A_84 = arith.muli %while3A_83, %while3A_82 : i32
      %while3A_85 = arith.addi %get3A_75, %while3A_84 : i32
      %while3A_86 = arith.constant 1 : i32
      %while3A_87 = scf.for %while3A_90 = %get3A_75 to %while3A_85 step %while3A_86 iter_args(%while3A_91 = %while3A) -> (i32)  : i32 {
        %mul3A = arith.constant 32 : i32
        %mul3A_92 = arith.muli %while3A_90, %mul3A : i32
        %multiple_of3A = tpu.assume_multiple %mul3A_92, 32 : i32
        %iota3A = tpu.iota {dimensions = array<i32: 0>} : vector<32x128xi32>
        %add3A_93 = vector.broadcast %multiple_of3A : i32 to vector<32x128xi32>
        %add3A_94 = arith.addi %iota3A, %add3A_93 : vector<32x128xi32>
        %convert_element_type3A = arith.sitofp %add3A_94 : vector<32x128xi32> to vector<32x128xf32>
        %iota3A_95 = tpu.iota {dimensions = array<i32: 1>} : vector<32x128xi32>
        %convert_element_type3A_96 = arith.sitofp %iota3A_95 : vector<32x128xi32> to vector<32x128xf32>
        %sub3A = vector.broadcast %get3A_51 : f32 to vector<32x128xf32>
        %sub3A_97 = arith.subf %convert_element_type3A_96, %sub3A : vector<32x128xf32>
        %sub3A_98 = vector.broadcast %get3A_54 : f32 to vector<32x128xf32>
        %sub3A_99 = arith.subf %convert_element_type3A, %sub3A_98 : vector<32x128xf32>
        %mul3A_100 = vector.broadcast %get3A_57 : f32 to vector<32x128xf32>
        %mul3A_101 = arith.mulf %mul3A_100, %sub3A_97 : vector<32x128xf32>
        %mul3A_102 = vector.broadcast %get3A_60 : f32 to vector<32x128xf32>
        %mul3A_103 = arith.mulf %mul3A_102, %sub3A_99 : vector<32x128xf32>
        %add3A_104 = arith.addf %mul3A_101, %mul3A_103 : vector<32x128xf32>
        %mul3A_105 = arith.mulf %sub3A_97, %add3A_104 : vector<32x128xf32>
        %mul3A_106 = arith.mulf %sub3A_99, %sub3A_99 : vector<32x128xf32>
        %mul3A_107 = vector.broadcast %get3A_63 : f32 to vector<32x128xf32>
        %mul3A_108 = arith.mulf %mul3A_107, %mul3A_106 : vector<32x128xf32>
        %add3A_109 = arith.addf %mul3A_105, %mul3A_108 : vector<32x128xf32>
        %exp3A = math.exp %add3A_109 : vector<32x128xf32>
        %mul3A_110 = vector.broadcast %get3A_66 : f32 to vector<32x128xf32>
        %mul3A_111 = arith.mulf %mul3A_110, %exp3A : vector<32x128xf32>
        %min3A = arith.constant 9.900000e-01 : f32
        %min3A_112 = vector.broadcast %min3A : f32 to vector<32x128xf32>
        %min3A_113 = arith.minimumf %min3A_112, %mul3A_111 : vector<32x128xf32>
        %le3A = arith.constant 0.000000e+00 : f32
        %le3A_114 = vector.broadcast %le3A : f32 to vector<32x128xf32>
        %le3A_115 = arith.cmpf ole, %add3A_109, %le3A_114 : vector<32x128xf32>
        %ge3A = arith.constant 0.00392156886 : f32
        %ge3A_116 = vector.broadcast %ge3A : f32 to vector<32x128xf32>
        %ge3A_117 = arith.cmpf oge, %min3A_113, %ge3A_116 : vector<32x128xf32>
        %and3A = arith.andi %le3A_115, %ge3A_117 : vector<32x128xi1>
        %jit3A = arith.constant 0.000000e+00 : f32
        %broadcast_in_dim3A_118 = vector.broadcast %jit3A : f32 to vector<32x128xf32>
        %select_n3A = arith.select %and3A, %min3A_113, %broadcast_in_dim3A_118 : vector<32x128xi1>, vector<32x128xf32>
        %get3A_119 = arith.index_cast %multiple_of3A : i32 to index
        %get3A_120 = arith.constant 0 : index
        %get3A_121 = vector.load %arg3[%get3A_119, %get3A_120] : memref<128x128xf32, #tpu.memory_space<vmem>>, vector<32x128xf32>
        %mul3A_122 = arith.mulf %get3A_121, %select_n3A : vector<32x128xf32>
        %get3A_123 = arith.index_cast %multiple_of3A : i32 to index
        %get3A_124 = arith.constant 0 : index
        %get3A_125 = vector.load %arg4[%get3A_123, %get3A_124] : memref<128x128xf32, #tpu.memory_space<vmem>>, vector<32x128xf32>
        %mul3A_126 = vector.broadcast %get3A_69 : f32 to vector<32x128xf32>
        %mul3A_127 = arith.mulf %mul3A_122, %mul3A_126 : vector<32x128xf32>
        %add3A_128 = arith.addf %get3A_125, %mul3A_127 : vector<32x128xf32>
        %swap3A_129 = arith.index_cast %multiple_of3A : i32 to index
        %swap3A_130 = arith.constant 0 : index
        %swap3A_131 = vector.load %arg4[%swap3A_129, %swap3A_130] : memref<128x128xf32, #tpu.memory_space<vmem>>, vector<32x128xf32>
        tpu.vector_store %arg4[%swap3A_129, %swap3A_130], %add3A_128 {strides = array<i32>} : memref<128x128xf32, #tpu.memory_space<vmem>>, vector<32x128xf32>,
        %get3A_132 = arith.index_cast %multiple_of3A : i32 to index
        %get3A_133 = arith.constant 0 : index
        %get3A_134 = vector.load %arg5[%get3A_132, %get3A_133] : memref<128x128xf32, #tpu.memory_space<vmem>>, vector<32x128xf32>
        %add3A_135 = arith.addf %get3A_134, %mul3A_122 : vector<32x128xf32>
        %swap3A_136 = arith.index_cast %multiple_of3A : i32 to index
        %swap3A_137 = arith.constant 0 : index
        %swap3A_138 = vector.load %arg5[%swap3A_136, %swap3A_137] : memref<128x128xf32, #tpu.memory_space<vmem>>, vector<32x128xf32>
        tpu.vector_store %arg5[%swap3A_136, %swap3A_137], %add3A_135 {strides = array<i32>} : memref<128x128xf32, #tpu.memory_space<vmem>>, vector<32x128xf32>,
        %get3A_139 = arith.index_cast %multiple_of3A : i32 to index
        %get3A_140 = arith.constant 0 : index
        %get3A_141 = vector.load %arg6[%get3A_139, %get3A_140] : memref<128x128xf32, #tpu.memory_space<vmem>>, vector<32x128xf32>
        %mul3A_142 = vector.broadcast %get3A_72 : f32 to vector<32x128xf32>
        %mul3A_143 = arith.mulf %mul3A_122, %mul3A_142 : vector<32x128xf32>
        %add3A_144 = arith.addf %get3A_141, %mul3A_143 : vector<32x128xf32>
        %swap3A_145 = arith.index_cast %multiple_of3A : i32 to index
        %swap3A_146 = arith.constant 0 : index
        %swap3A_147 = vector.load %arg6[%swap3A_145, %swap3A_146] : memref<128x128xf32, #tpu.memory_space<vmem>>, vector<32x128xf32>
        tpu.vector_store %arg6[%swap3A_145, %swap3A_146], %add3A_144 {strides = array<i32>} : memref<128x128xf32, #tpu.memory_space<vmem>>, vector<32x128xf32>,
        %sub3A_148 = arith.constant 1.000000e+00 : f32
        %sub3A_149 = vector.broadcast %sub3A_148 : f32 to vector<32x128xf32>
        %sub3A_150 = arith.subf %sub3A_149, %select_n3A : vector<32x128xf32>
        %mul3A_151 = arith.mulf %get3A_121, %sub3A_150 : vector<32x128xf32>
        %swap3A_152 = arith.index_cast %multiple_of3A : i32 to index
        %swap3A_153 = arith.constant 0 : index
        %swap3A_154 = vector.load %arg3[%swap3A_152, %swap3A_153] : memref<128x128xf32, #tpu.memory_space<vmem>>, vector<32x128xf32>
        tpu.vector_store %arg3[%swap3A_152, %swap3A_153], %mul3A_151 {strides = array<i32>} : memref<128x128xf32, #tpu.memory_space<vmem>>, vector<32x128xf32>,
        %while3A_155 = arith.constant 0 : i32
        scf.yield %while3A_155 : i32
      }
      %while3A_88 = arith.constant 1 : i32
      %while3A_89 = scf.for %while3A_90 = %while3A_85 to %while3A_81 step %while3A_88 iter_args(%while3A_91 = %while3A_87) -> (i32)  : i32 {
        %mul3A = arith.constant 32 : i32
        %mul3A_92 = arith.muli %while3A_90, %mul3A : i32
        %multiple_of3A = tpu.assume_multiple %mul3A_92, 32 : i32
        %iota3A = tpu.iota {dimensions = array<i32: 0>} : vector<32x128xi32>
        %add3A_93 = vector.broadcast %multiple_of3A : i32 to vector<32x128xi32>
        %add3A_94 = arith.addi %iota3A, %add3A_93 : vector<32x128xi32>
        %convert_element_type3A = arith.sitofp %add3A_94 : vector<32x128xi32> to vector<32x128xf32>
        %iota3A_95 = tpu.iota {dimensions = array<i32: 1>} : vector<32x128xi32>
        %convert_element_type3A_96 = arith.sitofp %iota3A_95 : vector<32x128xi32> to vector<32x128xf32>
        %sub3A = vector.broadcast %get3A_51 : f32 to vector<32x128xf32>
        %sub3A_97 = arith.subf %convert_element_type3A_96, %sub3A : vector<32x128xf32>
        %sub3A_98 = vector.broadcast %get3A_54 : f32 to vector<32x128xf32>
        %sub3A_99 = arith.subf %convert_element_type3A, %sub3A_98 : vector<32x128xf32>
        %mul3A_100 = vector.broadcast %get3A_57 : f32 to vector<32x128xf32>
        %mul3A_101 = arith.mulf %mul3A_100, %sub3A_97 : vector<32x128xf32>
        %mul3A_102 = vector.broadcast %get3A_60 : f32 to vector<32x128xf32>
        %mul3A_103 = arith.mulf %mul3A_102, %sub3A_99 : vector<32x128xf32>
        %add3A_104 = arith.addf %mul3A_101, %mul3A_103 : vector<32x128xf32>
        %mul3A_105 = arith.mulf %sub3A_97, %add3A_104 : vector<32x128xf32>
        %mul3A_106 = arith.mulf %sub3A_99, %sub3A_99 : vector<32x128xf32>
        %mul3A_107 = vector.broadcast %get3A_63 : f32 to vector<32x128xf32>
        %mul3A_108 = arith.mulf %mul3A_107, %mul3A_106 : vector<32x128xf32>
        %add3A_109 = arith.addf %mul3A_105, %mul3A_108 : vector<32x128xf32>
        %exp3A = math.exp %add3A_109 : vector<32x128xf32>
        %mul3A_110 = vector.broadcast %get3A_66 : f32 to vector<32x128xf32>
        %mul3A_111 = arith.mulf %mul3A_110, %exp3A : vector<32x128xf32>
        %min3A = arith.constant 9.900000e-01 : f32
        %min3A_112 = vector.broadcast %min3A : f32 to vector<32x128xf32>
        %min3A_113 = arith.minimumf %min3A_112, %mul3A_111 : vector<32x128xf32>
        %le3A = arith.constant 0.000000e+00 : f32
        %le3A_114 = vector.broadcast %le3A : f32 to vector<32x128xf32>
        %le3A_115 = arith.cmpf ole, %add3A_109, %le3A_114 : vector<32x128xf32>
        %ge3A = arith.constant 0.00392156886 : f32
        %ge3A_116 = vector.broadcast %ge3A : f32 to vector<32x128xf32>
        %ge3A_117 = arith.cmpf oge, %min3A_113, %ge3A_116 : vector<32x128xf32>
        %and3A = arith.andi %le3A_115, %ge3A_117 : vector<32x128xi1>
        %jit3A = arith.constant 0.000000e+00 : f32
        %broadcast_in_dim3A_118 = vector.broadcast %jit3A : f32 to vector<32x128xf32>
        %select_n3A = arith.select %and3A, %min3A_113, %broadcast_in_dim3A_118 : vector<32x128xi1>, vector<32x128xf32>
        %get3A_119 = arith.index_cast %multiple_of3A : i32 to index
        %get3A_120 = arith.constant 0 : index
        %get3A_121 = vector.load %arg3[%get3A_119, %get3A_120] : memref<128x128xf32, #tpu.memory_space<vmem>>, vector<32x128xf32>
        %mul3A_122 = arith.mulf %get3A_121, %select_n3A : vector<32x128xf32>
        %get3A_123 = arith.index_cast %multiple_of3A : i32 to index
        %get3A_124 = arith.constant 0 : index
        %get3A_125 = vector.load %arg4[%get3A_123, %get3A_124] : memref<128x128xf32, #tpu.memory_space<vmem>>, vector<32x128xf32>
        %mul3A_126 = vector.broadcast %get3A_69 : f32 to vector<32x128xf32>
        %mul3A_127 = arith.mulf %mul3A_122, %mul3A_126 : vector<32x128xf32>
        %add3A_128 = arith.addf %get3A_125, %mul3A_127 : vector<32x128xf32>
        %swap3A_129 = arith.index_cast %multiple_of3A : i32 to index
        %swap3A_130 = arith.constant 0 : index
        %swap3A_131 = vector.load %arg4[%swap3A_129, %swap3A_130] : memref<128x128xf32, #tpu.memory_space<vmem>>, vector<32x128xf32>
        tpu.vector_store %arg4[%swap3A_129, %swap3A_130], %add3A_128 {strides = array<i32>} : memref<128x128xf32, #tpu.memory_space<vmem>>, vector<32x128xf32>,
        %get3A_132 = arith.index_cast %multiple_of3A : i32 to index
        %get3A_133 = arith.constant 0 : index
        %get3A_134 = vector.load %arg5[%get3A_132, %get3A_133] : memref<128x128xf32, #tpu.memory_space<vmem>>, vector<32x128xf32>
        %add3A_135 = arith.addf %get3A_134, %mul3A_122 : vector<32x128xf32>
        %swap3A_136 = arith.index_cast %multiple_of3A : i32 to index
        %swap3A_137 = arith.constant 0 : index
        %swap3A_138 = vector.load %arg5[%swap3A_136, %swap3A_137] : memref<128x128xf32, #tpu.memory_space<vmem>>, vector<32x128xf32>
        tpu.vector_store %arg5[%swap3A_136, %swap3A_137], %add3A_135 {strides = array<i32>} : memref<128x128xf32, #tpu.memory_space<vmem>>, vector<32x128xf32>,
        %get3A_139 = arith.index_cast %multiple_of3A : i32 to index
        %get3A_140 = arith.constant 0 : index
        %get3A_141 = vector.load %arg6[%get3A_139, %get3A_140] : memref<128x128xf32, #tpu.memory_space<vmem>>, vector<32x128xf32>
        %mul3A_142 = vector.broadcast %get3A_72 : f32 to vector<32x128xf32>
        %mul3A_143 = arith.mulf %mul3A_122, %mul3A_142 : vector<32x128xf32>
        %add3A_144 = arith.addf %get3A_141, %mul3A_143 : vector<32x128xf32>
        %swap3A_145 = arith.index_cast %multiple_of3A : i32 to index
        %swap3A_146 = arith.constant 0 : index
        %swap3A_147 = vector.load %arg6[%swap3A_145, %swap3A_146] : memref<128x128xf32, #tpu.memory_space<vmem>>, vector<32x128xf32>
        tpu.vector_store %arg6[%swap3A_145, %swap3A_146], %add3A_144 {strides = array<i32>} : memref<128x128xf32, #tpu.memory_space<vmem>>, vector<32x128xf32>,
        %sub3A_148 = arith.constant 1.000000e+00 : f32
        %sub3A_149 = vector.broadcast %sub3A_148 : f32 to vector<32x128xf32>
        %sub3A_150 = arith.subf %sub3A_149, %select_n3A : vector<32x128xf32>
        %mul3A_151 = arith.mulf %get3A_121, %sub3A_150 : vector<32x128xf32>
        %swap3A_152 = arith.index_cast %multiple_of3A : i32 to index
        %swap3A_153 = arith.constant 0 : index
        %swap3A_154 = vector.load %arg3[%swap3A_152, %swap3A_153] : memref<128x128xf32, #tpu.memory_space<vmem>>, vector<32x128xf32>
        tpu.vector_store %arg3[%swap3A_152, %swap3A_153], %mul3A_151 {strides = array<i32>} : memref<128x128xf32, #tpu.memory_space<vmem>>, vector<32x128xf32>,
        %while3A_155 = arith.constant 0 : i32
        scf.yield %while3A_155 : i32
      }
    }
    %scan3A_21 = arith.constant 8192 : i32
    %get3A = arith.constant 0 : index
    %get3A_22 = arith.constant 0 : index
    %get3A_23 = vector.load %arg4[%get3A, %get3A_22] : memref<128x128xf32, #tpu.memory_space<vmem>>, vector<128x128xf32>
    %swap3A_24 = arith.constant 0 : index
    %swap3A_25 = arith.constant 0 : index
    %swap3A_26 = arith.constant 0 : index
    %swap3A_27 = vector.load %arg2[%swap3A_24, %swap3A_25, %swap3A_26] : memref<3x128x128xf32, #tpu.memory_space<vmem>>, vector<1x128x128xf32>
    %swap3A_28 = vector.shape_cast %swap3A_27 : vector<1x128x128xf32> to vector<128x128xf32>
    %swap3A_29 = vector.shape_cast %get3A_23 : vector<128x128xf32> to vector<1x128x128xf32>
    tpu.vector_store %arg2[%swap3A_24, %swap3A_25, %swap3A_26], %swap3A_29 {strides = array<i32>} : memref<3x128x128xf32, #tpu.memory_space<vmem>>, vector<1x128x128xf32>,
    %get3A_30 = arith.constant 0 : index
    %get3A_31 = arith.constant 0 : index
    %get3A_32 = vector.load %arg5[%get3A_30, %get3A_31] : memref<128x128xf32, #tpu.memory_space<vmem>>, vector<128x128xf32>
    %swap3A_33 = arith.constant 1 : index
    %swap3A_34 = arith.constant 0 : index
    %swap3A_35 = arith.constant 0 : index
    %swap3A_36 = vector.load %arg2[%swap3A_33, %swap3A_34, %swap3A_35] : memref<3x128x128xf32, #tpu.memory_space<vmem>>, vector<1x128x128xf32>
    %swap3A_37 = vector.shape_cast %swap3A_36 : vector<1x128x128xf32> to vector<128x128xf32>
    %swap3A_38 = vector.shape_cast %get3A_32 : vector<128x128xf32> to vector<1x128x128xf32>
    tpu.vector_store %arg2[%swap3A_33, %swap3A_34, %swap3A_35], %swap3A_38 {strides = array<i32>} : memref<3x128x128xf32, #tpu.memory_space<vmem>>, vector<1x128x128xf32>,
    %get3A_39 = arith.constant 0 : index
    %get3A_40 = arith.constant 0 : index
    %get3A_41 = vector.load %arg6[%get3A_39, %get3A_40] : memref<128x128xf32, #tpu.memory_space<vmem>>, vector<128x128xf32>
    %swap3A_42 = arith.constant 2 : index
    %swap3A_43 = arith.constant 0 : index
    %swap3A_44 = arith.constant 0 : index
    %swap3A_45 = vector.load %arg2[%swap3A_42, %swap3A_43, %swap3A_44] : memref<3x128x128xf32, #tpu.memory_space<vmem>>, vector<1x128x128xf32>
    %swap3A_46 = vector.shape_cast %swap3A_45 : vector<1x128x128xf32> to vector<128x128xf32>
    %swap3A_47 = vector.shape_cast %get3A_41 : vector<128x128xf32> to vector<1x128x128xf32>
    tpu.vector_store %arg2[%swap3A_42, %swap3A_43, %swap3A_44], %swap3A_47 {strides = array<i32>} : memref<3x128x128xf32, #tpu.memory_space<vmem>>, vector<1x128x128xf32>,
    return
  }
}

</mosaic_0001>

<sc_bundles>
// kernel: gather_offload_async_start.1
scs
__scs_entry_jumppad:
0x0: {  	(pc) =	sbr.rel $0x88, $3  }
0x1: {  	(tag) =	ssettag $0x0;
	lr =	simm.s32 $0x1  }
0x2: {  	[smem:$0x3F9D] =	sst lr;
	_ =	strace $0xD0000000  }
0x3: {  	_ = 	snop  }
0x4: {  	_ = 	snop  }
0x5: {  	_ = 	snop  }
0x6: {  	_ = 	snop  }
0x7: {  	_ = 	snop  }
__scs_overlays_trampoline_lowered:
0x8: {  	[smem:$0x3FAC] =	sst s0  }
0x9: {  	[smem:$0x3FAD] =	sst s1  }
0xa: {  	[smem:$0x3FAE] =	sst s2  }
0xb: {  	[smem:$0x3FAF] =	sst s3  }
0xc: {  	[smem:$0x3FB0] =	sst s4  }
0xd: {  	[smem:$0x3FB1] =	sst s5  }
0xe: {  	[smem:$0x3FB2] =	sst s6  }
0xf: {  	[smem:$0x3FB3] =	sst s7  }
0x10: {  	[smem:$0x3FB4] =	sst s8  }
0x11: {  	[smem:$0x3FB5] =	sst s9;
	s0 =	simm.s32 @!p0 $0x0  }
0x12: {  	s1 =	sld [smem:$0x3F9B];
	s0 =	simm.s32 @p0 $0x1  }
0x13: {  	[smem:$0x3FB6] =	sst s0;
	s0 =	simm.s32 @!p1 $0x0  }
0x14: {  	s2 =	sld [smem:$0x3F9A];
	s0 =	simm.s32 @p1 $0x1  }
0x15: {  	[smem:$0x3FB7] =	sst s0;
	s0 =	simm.s32 @!p2 $0x0  }
0x16: {  	s3 =	sld [smem:$0x3FDB];
	s0 =	simm.s32 @p2 $0x1  }
0x17: {  	s4 =	simm.s32 $0x1BF5;
	[smem:$0x3FB9] =	sst s0  }
0x18: {  	s0 =	sld [smem:$0x3F9C];
	_ =	swait.ge [sflag:s4], $0x0  }
0x19: {  	s7 =	sld [smem:$0x3F9D]  }
0x1a: {  	s8 =	sadd.s32 $0xFFFFE003, lr  }
0x1b: {  	s9 =	sadd.s32 $0xFFFFFEF7, lr;
	s5 =	simm.s32 $0xFFFFFFFF;
	p2 =	slt.u32 s8, $0xFFFFF086  }
0x1c: {  	p1 =	slt.u32 s9, $0xF7A;
	s5 =	simm.s32 @!p2 $0x0  }
0x1d: {  	s5 =	simm.s32 @p1 $0x1;
	p0 =	seq.s32 s7, s2  }
0x1e: {  	s7 =	smul.u32 @!p0 $0xF7A, s2;
	p2 =	seq.s32 @!p0 s5, $0x0  }
0x1f: {  	s9 =	smul.u32 $0xF7A, s1;
	s8 =	simm.s32 @!p0 $0x1BF5;
	p2 =	por !p2, p0  }
0x20: {  	[sflag:s8] =	ssyncset.s32 @!p0 $0xFFFFF086;
	s6 =	sadd.s32 @!p0 s3, s7;
	s7 =	simm.s32 @!p0 $0x108  }
0x21: {  	s3 =	sadd.s32 s3, s9;
	s6 =	sadd.s32 @!p0 $0x88, s6;
	s7 =	simm.s32 @p2 $0x1082  }
0x22: {  	[simem:s7], [sflag:s8] =	dma.local @!p0 [hbm:s6], $0xF7A  }
0x23: {  	s9 =	sor.u32 $0xD0000000, s2;
	s6 =	simm.s32 $0x108;
	_ =	swait.ge @!p0 [sflag:s8], $0x0  }
0x24: {  	s3 =	sadd.s32 $0x88, s3;
	s6 =	simm.s32 @!p1 $0x1082;
	[sflag:s4] =	ssyncset.s32 $0xFFFFF086  }
0x25: {  	[simem:s6], [sflag:s4] =	dma.local [hbm:s3], $0xF7A  }
0x26: {  	[smem:$0x3F9D] =	sst s1;
	(tag) =	ssettag s2;
	_ =	strace s9  }
0x27: {  	s1 =	sld [smem:$0x3FAD]  }
0x28: {  	s2 =	sld [smem:$0x3FAE]  }
0x29: {  	s4 =	sld [smem:$0x3FB0]  }
0x2a: {  	p0 =	seq.s32 s5, $0x0;
	s5 =	sld [smem:$0x3FB1]  }
0x2b: {  	s6 =	sld [smem:$0x3FB2]  }
0x2c: {  	s7 =	sld [smem:$0x3FB3]  }
0x2d: {  	s3 =	simm.s32 $0x108;
	s8 =	sld [smem:$0x3FB4]  }
0x2e: {  	s3 =	simm.s32 @!p0 $0x1082;
	s9 =	sld [smem:$0x3FB5]  }
0x2f: {  	lr =	sadd.s32 s0, s3;
	s0 =	sld [smem:$0x3FAC]  }
0x30: {  	s3 =	sld [smem:$0x3FAF]  }
0x31: {  	[smem:$0x3FB8] =	sst s10  }
0x32: {  	s10 =	sld [smem:$0x3FB6];
	_ =	sdelay $0x3  }
0x33: {  	p0 =	seq.s32 s10, $0x1;
	s10 =	sld [smem:$0x3FB8];
	_ =	sdelay $0x3  }
0x34: {  	[smem:$0x3FB8] =	sst s10  }
0x35: {  	s10 =	sld [smem:$0x3FB7];
	_ =	sdelay $0x3  }
0x36: {  	p1 =	seq.s32 s10, $0x1;
	s10 =	sld [smem:$0x3FB8];
	_ =	sdelay $0x3  }
0x37: {  	[smem:$0x3FB8] =	sst s10  }
0x38: {  	s10 =	sld [smem:$0x3FB9]  }
0x39: {  	_ = 	snop;
	(pc) =	sbr.ind lr, $3  }
0x3a: {  	_ = 	snop  }
0x3b: {  	_ = 	snop  }
0x3c: {  	p2 =	seq.s32 s10, $0x1;
	s10 =	sld [smem:$0x3FB8]  }
0x3d: {  	_ =	shalt  }
0x3e: {  	_ =	shalt  }
0x3f: {  	_ =	shalt  }
0x40: {  	_ =	shalt  }
0x41: {  	_ =	shalt  }
0x42: {  	_ =	shalt  }
0x43: {  	_ =	shalt  }
0x44: {  	_ =	shalt  }
0x45: {  	_ =	shalt  }
0x46: {  	_ =	shalt  }
0x47: {  	_ =	shalt  }
0x48: {  	_ =	shalt  }
0x49: {  	_ =	shalt  }
0x4a: {  	_ =	shalt  }
0x4b: {  	_ =	shalt  }
0x4c: {  	_ =	shalt  }
0x4d: {  	_ =	shalt  }
0x4e: {  	_ =	shalt  }
0x4f: {  	_ =	shalt  }
0x50: {  	_ =	shalt  }
0x51: {  	_ =	shalt  }
0x52: {  	_ =	shalt  }
0x53: {  	_ =	shalt  }
0x54: {  	_ =	shalt  }
0x55: {  	_ =	shalt  }
0x56: {  	_ =	shalt  }
0x57: {  	_ =	shalt  }
0x58: {  	_ =	shalt  }
0x59: {  	_ =	shalt  }
0x5a: {  	_ =	shalt  }
0x5b: {  	_ =	shalt  }
0x5c: {  	_ =	shalt  }
0x5d: {  	_ =	shalt  }
0x5e: {  	_ =	shalt  }
0x5f: {  	_ =	shalt  }
0x60: {  	_ =	shalt  }
0x61: {  	_ =	shalt  }
0x62: {  	_ =	shalt  }
0x63: {  	_ =	shalt  }
0x64: {  	_ =	shalt  }
0x65: {  	_ =	shalt  }
0x66: {  	_ =	shalt  }
0x67: {  	_ =	shalt  }
0x68: {  	_ =	shalt  }
0x69: {  	_ =	shalt  }
0x6a: {  	_ =	shalt  }
0x6b: {  	_ =	shalt  }
0x6c: {  	_ =	shalt  }
0x6d: {  	_ =	shalt  }
0x6e: {  	_ =	shalt  }
0x6f: {  	_ =	shalt  }
0x70: {  	_ =	shalt  }
0x71: {  	_ =	shalt  }
0x72: {  	_ =	shalt  }
0x73: {  	_ =	shalt  }
0x74: {  	_ =	shalt  }
0x75: {  	_ =	shalt  }
0x76: {  	_ =	shalt  }
0x77: {  	_ =	shalt  }
0x78: {  	_ =	shalt  }
0x79: {  	_ =	shalt  }
0x7a: {  	_ =	shalt  }
0x7b: {  	_ =	shalt  }
0x7c: {  	_ =	shalt  }
0x7d: {  	_ =	shalt  }
0x7e: {  	_ =	shalt  }
0x7f: {  	_ =	shalt  }
0x80: {  	_ =	shalt  }
0x81: {  	_ =	shalt  }
0x82: {  	_ =	shalt  }
0x83: {  	_ =	shalt  }
0x84: {  	_ =	shalt  }
0x85: {  	_ =	shalt  }
0x86: {  	_ =	shalt  }
0x87: {  	_ =	shalt  }
.Lfunc_end0:
.L_simem_size_0:
called_computation.1_lowered:
.L_overlay_start_0:
0x88: {  	s2 =	sld [smem:$0x3FD9]  }
0x89: {  	s3 =	sld [smem:$0x3FFE];
	_ =	sdelay $0x1  }
0x8a: {  	s1 =	srdreg.scid  }
0x8b: {  	s0 =	sand.u32 $0x1, s1  }
0x8c: {  	s17 =	sshll.u32 s0, $0xA;
	s2 =	sadd.s32 s3, s2  }
0x8d: {  	s2 =	sadd.s32 s2, s17  }
0x8e: {  	[smem:$0x3FC4] =	sst s2  }
0x8f: {  	_ = 	snop  }
0x90: {  	(tm) =	ssettm $0x1  }
0x91: {  	s18 =	sld [smem:$0x3FFB];
	_ =	sdelay $0x3  }
0x92: {  	_ =	strace s18  }
0x93: {  	s2 =	sld [smem:$0x3FFC];
	_ =	sdelay $0x3  }
0x94: {  	_ =	strace s2  }
0x95: {  	s2 =	sld [smem:$0x3FFD];
	_ =	sdelay $0x3  }
0x96: {  	_ =	strace s2  }
0x97: {  	_ =	strace $0x8FFFFFFF  }
0x98: {  	s19 =	sld [smem:$0x3FDB];
	_ =	sdelay $0x1  }
0x99: {  	s20 =	simm.s32 $_scs_section_size  }
0x9a: {  	s4 =	simm.s32 $_size__tile_overlayer_lowered;
	s5 =	simm.s32 $_tile_overlayer_lowered  }
0x9b: {  	s6 =	simm.s32 $0x1BFF;
	s21 =	sshll.u32 s5, $0x1;
	s3 =	sadd.s32 s20, s19  }
0x9c: {  	s22 =	simm.s32 $0x0;
	s4 =	sshll.u32 s4, $0x1;
	s5 =	sadd.s32 s21, s3  }
0x9d: {  	[timem:s22], [sflag:s6] =	dma.local [hbm:s5], s4  }
0x9e: {  	_ =	swait.ge [sflag:s6], s4  }
0x9f: {  	s4 =	ssub.s32 $0x0, s4;
	[sflag:s6] =	ssyncset.done $0x0  }
0xa0: {  	[sflag:s6] =	ssyncadd.s32 s4;
	_ =	sdelay $0x1  }
0xa1: {  	s23 =	simm.s32 $0x1B8B  }
0xa2: {  	_ =	swait.ge [sflag:s23], $0x1  }
0xa3: {  	[sflag:s23] =	ssyncset.done $0x0  }
0xa4: {  	[sflag:s23] =	ssyncadd.s32 $0xFFFFFFFF  }
0xa5: {  	s4 =	sld [smem:$0x0]  }
0xa6: {  	s5 =	sand.u32 $0xFFFFFFFE, s1  }
0xa7: {  	p0 =	sne.s32 s1, s5  }
0xa8: {  	s5 =	sshll.u32 @p0 s5, $0xE  }
0xa9: {  	s5 =	sadd.s32 @p0 $0x11B8D, s5;
	s6 =	sshll.u32 @p0 s4, $0x11  }
0xaa: {  	s5 =	sor.u32 @p0 s6, s5  }
0xab: {  	[sflag:s5] =	ssyncadd.remote.s32 @p0 $0x1;
	_ =	sdelay $0x1  }
0xac: {  	s5 =	simm.s32 @p0 $0x1B8D  }
0xad: {  	_ =	swait.eq @p0 [sflag:s5], $0x1  }
0xae: {  	[sflag:s5] =	ssyncadd.s32 @p0 $0xFFFFFFFF  }
0xaf: {  	s6 =	sshll.u32 @!p0 s1, $0xE  }
0xb0: {  	s6 =	sor.u32 @!p0 $0x4000, s6;
	s5 =	simm.s32 @!p0 $0x1B8D  }
0xb1: {  	s4 =	sshll.u32 @!p0 s4, $0x11;
	s6 =	sadd.s32 @!p0 $0x11B8D, s6;
	_ =	swait.eq @!p0 [sflag:s5], $0x1  }
0xb2: {  	s4 =	sor.u32 @!p0 s4, s6;
	[sflag:s5] =	ssyncadd.s32 @!p0 $0xFFFFFFFF  }
0xb3: {  	s25 =	simm.s32 $0x1B8E;
	s24 =	sld [smem:$0x3FFE];
	[sflag:s4] =	ssyncadd.remote.s32 @!p0 $0x1  }
0xb4: {  	s26 =	simm.s32 $execute0_lowered;
	[smem:$0x3FD2] =	sst s25  }
0xb5: {  	s5 =	sshll.u32 s26, $0x1;
	_ =	strace $0x8000004C;
	[dreg:$0x1] =	wrdreg $0xFFFFFFFF  }
0xb6: {  	s28 =	simm.s32 $_size_execute0_lowered;
	s3 =	sadd.s32 s3, s5;
	[dreg:$0x0] =	wrdreg $0x0  }
0xb7: {  	s5 =	sshll.u32 s28, $0x1;
	[dreg:$0x2] =	wrdreg s3  }
0xb8: {  	[dreg:$0x3] =	wrdreg s5  }
0xb9: {  	[dreg:$0x4] =	wrdreg $0xC0  }
0xba: {  	_ =	task [dreg:s22], $0x5FFFF  }
0xbb: {  	[dreg:$0x1] =	wrdreg $0xFFFFFFFF  }
0xbc: {  	[dreg:$0x0] =	wrdreg $0x60  }
0xbd: {  	[dreg:$0x2] =	wrdreg s24  }
0xbe: {  	[dreg:$0x3] =	wrdreg $0x9  }
0xbf: {  	_ =	task.clear_ibuf [dreg:s22], $0x4FFFF;
	_ =	strace $0x9000004C  }
0xc0: {  	s29 =	simm.s32 $0x9;
	_ =	strace $0x8000004E  }
0xc1: {  	_ =	swait.ge [sflag:s29], $0x1  }
0xc2: {  	[sflag:s29] =	ssyncadd.s32 $0xFFFFFFFF  }
0xc3: {  	_ =	strace $0x9000004E  }
0xc4: {  	_ =	sfence  }
0xc5: {  	s30 =	sld [smem:$0x0];
	_ =	sdelay $0x2  }
0xc6: {  	s31 =	sshll.u32 s1, $0xD;
	s1 =	sshrl.u32 s1, $0x2  }
0xc7: {  	s4 =	sand.u32 $0x4000, s31;
	s1 =	sadd.s32 s1, s30  }
0xc8: {  	s0 =	sor.u32 s4, s0;
	s1 =	sshll.u32 s1, $0x11  }
0xc9: {  	s0 =	sor.u32 s1, s0  }
0xca: {  	s0 =	sadd.s32 $0x8F2B, s0  }
0xcb: {  	[sflag:s0] =	ssyncadd.remote.s32 $0x1  }
0xcc: {  	_ =	sfence.sel $0xFFFF  }
0xcd: {  	[dreg:$0x0] =	wrdreg $0xFFFFFFFF;
	(pc) =	sbr.abs _section_cstart, $3  }
0xce: {  	[dreg:$0x1] =	wrdreg $0xFFFFFFFF  }
0xcf: {  	_ =	task.clear_ibuf [dreg:s22], $0x2FFFF;
	_ =	strace $0x9FFFFFFF  }
0xd0: {  	(tm) =	ssettm $0x7FFFFFFF  }
0xd1: {  	_ =	shalt  }
tec
execute0_lowered:
.L_overlay_start_1:
0x0: {  	(tag) =	ssettag $0x1  }
0x1: {  	s0 =	srdreg.scid;
	s5 =	rddreg [dreg:$0x0]  }
0x2: {  	s1 =	stileid.u32;
	s6 =	simm.s32 $0x1;
	s9 =	simm.s32 $0x1  }
0x3: {  	s10 =	simm.s32 $0x3;
	s13 =	simm.s32 $0x0;
	s2 =	sshll.u32 s0, $0x7  }
0x4: {  	s12 =	simm.s32 $0x0;
	s3 =	sshll.u32 s1, $0x8;
	s2 =	sand.u32 $0x80, s2  }
0x5: {  	s0 =	rddreg [dreg:$0x1];
	_ =	strace $0x8000004D;
	s2 =	sor.u32 s3, s2  }
0x6: {  	s4 =	sadd.s32 $0x2000, s5;
	[sflag:s6] =	ssyncpa.u1 $0x0;
	s8 =	ssub.s32 $0x2000, s2  }
.Ltmp0:
0x7: {  	s3 =	sadd.s32 $0x1400, s5;
	s7 =	sand.u32 $0xF80, s8;
	(pc) =	sbr.rel .LBB2_1-.Ltmp0, $4  }
0x8: {  	s5 =	sadd.s32 $0x2400, s5;
	s11 =	smov.u32 s2;
	p0 =	sne.s32 s7, $0x0  }
0x9: {  	s8 =	sshrl.u32 s8, $0xC;
	s7 =	simm.s32 $0x2;
	s9 =	simm.s32 @!p0 $0x0  }
0xa: {  	[sflag:s7] =	ssyncpa.u1 $0x0;
	p0 =	por $0x0, $0x0;
	s8 =	sadd.s32 s9, s8  }
0xb: {  	vm0 =	vmmov $0xffff;
	[sflag:s10] =	ssyncpa.u1 $0x0;
	s10 =	simm.s32 $0x0;
	s9 =	sadd.s32 $0x1, s8  }
.LBB2_4:
0xc: {  	v2 =	vnsel vm1, $0x0, v2  }
0xd: {  	vm1 =	vgt.s32 v0, $0x0;
	v2 =	vmin.u32 v2, $0x1FFF  }
0xe: {  	v0 =	vnsel vm1, $0x0, v0  }
0xf: {  	v0 =	vmin.u32 v0, $0x1FFF  }
0x10: {  	[tilespmem:s15], [sflag:$0x1] =	stream.indirect_vreg.gather [hbm4b:s3+s10], $0x1, v1, vm0, $0x4038;
	[tilespmem:$0x200] =	vst v63  }
0x11: {  	(ifvalue) =	ssetifvalue $0x7FFFFFFF  }
0x12: {  	[tilespmem:s16], [sflag:$0x1] =	stream.indirect_vreg.gather [hbm4b:s3+s10], $0x1, v2, vm0, $0x4038;
	[tilespmem:$0x200] =	vst v63  }
0x13: {  	s29 =	sadd.s32 $0x10, s16;
	(ifvalue) =	ssetifvalue $0x7FFFFFFF  }
0x14: {  	[tilespmem:s29], [sflag:$0x1] =	stream.indirect_vreg.gather [hbm4b:s3+s10], $0x1, v0, vm0, $0x4038;
	[tilespmem:$0x200] =	vst v63  }
0x15: {  	_ =	swait.ge [sflag:s6], $0x80  }
0x16: {  	s30 =	sshrl.u32 s13, $0x3;
	[sflag:s6] =	ssyncset.done $0x0  }
0x17: {  	s31 =	sand.u32 $0x7, s13;
	s15 =	sadd.s32 s5, s30;
	[sflag:s6] =	ssyncadd.s32 $0xFFFFFF80  }
0x18: {  	[hbm4b:s15+s31] =	stream.linear.scatter [tilespmem:s14], [sflag:$0x3], $0x80, $0x38;
	[tilespmem:$0x200] =	vst v63  }
.LBB2_5:
0x19: {  	s15 =	sadd.s32 $0x1000, s11  }
0x1a: {  	p2 =	sgt.s32 s15, $0x1FFF  }
0x1b: {  	s15 =	smov.u32 @p2 s2;
	p2 =	sne.s32 s12, s9  }
.Ltmp1:
0x1c: {  	p1 =	slt.u32 s12, $0x2;
	(pc) =	sbr.rel @!p2 .LBB2_6-.Ltmp1, $4  }
0x1d: {  	s14 =	simm.s32 @!p1 $0x3  }
0x1e: {  	s16 =	sadd.s32 $0x1, s12;
	_ =	swait.ge @!p1 [sflag:s14], $0x80  }
0x1f: {  	s13 =	smov.u32 s11;
	p0 =	por !p0, !p0;
	[sflag:s14] =	ssyncset.done @!p1 $0x0  }
0x20: {  	s12 =	smov.u32 s16;
	s11 =	smov.u32 s15;
	[sflag:s14] =	ssyncadd.s32 @!p1 $0xFFFFFF80  }
.LBB2_1:
0x21: {  	p1 =	sge.u32 s12, s8  }
0x22: {  	s14 =	sxor.u32 @!p1 $0xFFFFFFFF, s12  }
0x23: {  	s31 =	sadd.s32 $0xFFFFFFFF, s12;
	s15 =	sshrl.u32 @!p1 s11, $0x3;
	s14 =	sshll.u32 @!p1 s14, $0x7  }
0x24: {  	s16 =	sand.u32 @!p1 $0x7, s11;
	s15 =	sadd.s32 @!p1 s4, s15;
	s14 =	sand.u32 @!p1 $0x80, s14  }
0x25: {  	[tilespmem:s14], [sflag:$0x2] =	stream.linear.gather @!p1 [hbm4b:s15+s16], $0x80, $0x38;
	[tilespmem:$0x200] =	vst v63  }
0x26: {  	p1 =	sge.u32 s31, s8  }
.Ltmp2:
0x27: {  	_ = 	snop;
	(pc) =	sbr.rel @p1 .LBB2_5-.Ltmp2, $1  }
0x28: {  	_ =	sdelay $0x3  }
0x29: {  	s14 =	simm.s32 $0x1  }
0x2a: {  	_ =	swait.ge [sflag:s7], $0x80;
	s14 =	simm.s32 @!p0 $0x0  }
0x2b: {  	[sflag:s7] =	ssyncset.done $0x0;
	s14 =	sshll.u32 s14, $0x7  }
0x2c: {  	[sflag:s7] =	ssyncadd.s32 $0xFFFFFF80;
	(ifvalue) =	ssetifvalue $0x7FFFFFFF;
	v0 =	vld.msk [tilespmem:s14+$0x0 ss:$0x1], $0xffff;
	_ =	sdelay $0x4  }
0x2d: {  	s15 =	sadd.s32 $0x10, s14;
	vm1 =	vgt.s32 v0, $0x0  }
0x2e: {  	v2 =	vld.msk [tilespmem:s15+$0x0 ss:$0x1], $0xffff;
	v1 =	vnsel vm1, $0x0, v0  }
0x2f: {  	v1 =	vmin.u32 v1, $0x1FFF;
	_ =	sdelay $0x1  }
0x30: {  	s16 =	sshll.u32 s12, $0x7;
	s18 =	simm.s32 $0x20  }
0x31: {  	s16 =	sand.u32 $0x80, s16;
	s17 =	sadd.s32 $0x10, s15;
	s15 =	sor.u32 $0x100, s14  }
0x32: {  	s14 =	sor.u32 $0x100, s16;
	s16 =	sadd.s32 $0x10, s15;
	v0 =	vld.msk [tilespmem:s17+$0x0 ss:$0x1], $0xffff;
	vm1 =	vgt.s32 v2, $0x0;
	(ifvalue) =	ssetifvalue $0x7FFFFFFF  }
.LBB2_3:
0x33: {  	[tilespmem:s15], [sflag:$0x1] =	stream.indirect_vreg.gather [hbm4b:s3+s10], $0x1, v1, vm0, $0x4038;
	[tilespmem:$0x200] =	vst v63  }
0x34: {  	s18 =	sadd.s32 $0x10, s18  }
0x35: {  	v2 =	vnsel vm1, $0x0, v2;
	p1 =	slt.u32 s18, $0x70  }
.Ltmp3:
0x36: {  	s15 =	smov.u32 s16;
	v1 =	vmin.u32 v2, $0x1FFF;
	(pc) =	sbr.rel @p1 .LBB2_3-.Ltmp3, $3  }
0x37: {  	_ =	sdelay $0x1  }
0x38: {  	s17 =	sadd.s32 $0x10, s17  }
0x39: {  	vm1 =	vgt.s32 v0, $0x0;
	s16 =	sadd.s32 $0x10, s16;
	v2 =	vmov v0;
	(ifvalue) =	ssetifvalue $0x7FFFFFFF;
	v0 =	vld.msk [tilespmem:s17+$0x0 ss:$0x1], $0xffff  }
.Ltmp4:
0x3a: {  	_ = 	snop;
	(pc) =	sbr.rel .LBB2_4-.Ltmp4, $1  }
0x3b: {  	_ =	sdelay $0x3  }
.LBB2_6:
0x3c: {  	_ =	sfence.sel $0x180000  }
0x3d: {  	s2 =	simm.s32 $0x2;
	[bflag:$0x0] =	sbarrier.arrive $0xFFFF  }
0x3e: {  	s30 =	simm.s32 $0x3;
	[sflag:s2] =	ssyncpa.u1 $0x1  }
0x3f: {  	s31 =	simm.s32 $0x1;
	[sflag:s30] =	ssyncpa.u1 $0x1  }
0x40: {  	[sflag:s31] =	ssyncpa.u1 $0x1  }
0x41: {  	p0 =	sne.s32 s1, $0x0;
	_ =	strace $0x9000004D  }
0x42: {  	s0 =	sadd.s32 @!p0 $0x100000, s0;
	[bflag:$0x2] =	sbarrier.arrive $0xFFFF  }
0x43: {  	[sflag:s0] =	ssyncadd.tile.s32 @!p0 $0x1;
	_ =	shalt  }
.Lfunc_end2:
_tile_overlayer_lowered:
.L_overlay_start_2:
0x44: {  	(tag) =	ssettag $0x2  }
0x45: {  	s0 =	rddreg [dreg:$0x0];
	s2 =	stileid.u32  }
0x46: {  	s1 =	rddreg [dreg:$0x1];
	p0 =	sne.s32 s2, $0x0  }
0x47: {  	s3 =	rddreg [dreg:$0x2];
	[bflag:$0x3] =	sbarrier.arrive $0xFFFF;
	s2 =	simm.s32 @!p0 $0x1C01  }
0x48: {  	[timem:s3], [sflag:s2] =	dma.local @!p0 [hbm:s0], s1  }
0x49: {  	s0 =	simm.s32 @!p0 $0x1  }
0x4a: {  	_ =	swait.ge @!p0 [sflag:s0], s1  }
0x4b: {  	s1 =	ssub.s32 @!p0 $0x0, s1;
	[sflag:s0] =	ssyncset.done @!p0 $0x0  }
0x4c: {  	[sflag:s0] =	ssyncadd.s32 @!p0 s1  }
0x4d: {  	[bflag:$0x3] =	sbarrier.arrive $0xFFFF  }
0x4e: {  	_ =	shalt  }

// kernel: gather_offload_async_start.2
scs
__scs_entry_jumppad:
0x0: {  	(pc) =	sbr.rel $0x88, $3  }
0x1: {  	(tag) =	ssettag $0x0;
	lr =	simm.s32 $0x1  }
0x2: {  	[smem:$0x3F9D] =	sst lr;
	_ =	strace $0xD0000000  }
0x3: {  	_ = 	snop  }
0x4: {  	_ = 	snop  }
0x5: {  	_ = 	snop  }
0x6: {  	_ = 	snop  }
0x7: {  	_ = 	snop  }
__scs_overlays_trampoline_lowered:
0x8: {  	[smem:$0x3FAC] =	sst s0  }
0x9: {  	[smem:$0x3FAD] =	sst s1  }
0xa: {  	[smem:$0x3FAE] =	sst s2  }
0xb: {  	[smem:$0x3FAF] =	sst s3  }
0xc: {  	[smem:$0x3FB0] =	sst s4  }
0xd: {  	[smem:$0x3FB1] =	sst s5  }
0xe: {  	[smem:$0x3FB2] =	sst s6  }
0xf: {  	[smem:$0x3FB3] =	sst s7  }
0x10: {  	[smem:$0x3FB4] =	sst s8  }
0x11: {  	[smem:$0x3FB5] =	sst s9;
	s0 =	simm.s32 @!p0 $0x0  }
0x12: {  	s1 =	sld [smem:$0x3F9B];
	s0 =	simm.s32 @p0 $0x1  }
0x13: {  	[smem:$0x3FB6] =	sst s0;
	s0 =	simm.s32 @!p1 $0x0  }
0x14: {  	s2 =	sld [smem:$0x3F9A];
	s0 =	simm.s32 @p1 $0x1  }
0x15: {  	[smem:$0x3FB7] =	sst s0;
	s0 =	simm.s32 @!p2 $0x0  }
0x16: {  	s3 =	sld [smem:$0x3FDB];
	s0 =	simm.s32 @p2 $0x1  }
0x17: {  	s4 =	simm.s32 $0x1BF5;
	[smem:$0x3FB9] =	sst s0  }
0x18: {  	s0 =	sld [smem:$0x3F9C];
	_ =	swait.ge [sflag:s4], $0x0  }
0x19: {  	s7 =	sld [smem:$0x3F9D]  }
0x1a: {  	s8 =	sadd.s32 $0xFFFFE003, lr  }
0x1b: {  	s9 =	sadd.s32 $0xFFFFFEF7, lr;
	s5 =	simm.s32 $0xFFFFFFFF;
	p2 =	slt.u32 s8, $0xFFFFF086  }
0x1c: {  	p1 =	slt.u32 s9, $0xF7A;
	s5 =	simm.s32 @!p2 $0x0  }
0x1d: {  	s5 =	simm.s32 @p1 $0x1;
	p0 =	seq.s32 s7, s2  }
0x1e: {  	s7 =	smul.u32 @!p0 $0xF7A, s2;
	p2 =	seq.s32 @!p0 s5, $0x0  }
0x1f: {  	s9 =	smul.u32 $0xF7A, s1;
	s8 =	simm.s32 @!p0 $0x1BF5;
	p2 =	por !p2, p0  }
0x20: {  	[sflag:s8] =	ssyncset.s32 @!p0 $0xFFFFF086;
	s6 =	sadd.s32 @!p0 s3, s7;
	s7 =	simm.s32 @!p0 $0x108  }
0x21: {  	s3 =	sadd.s32 s3, s9;
	s6 =	sadd.s32 @!p0 $0x88, s6;
	s7 =	simm.s32 @p2 $0x1082  }
0x22: {  	[simem:s7], [sflag:s8] =	dma.local @!p0 [hbm:s6], $0xF7A  }
0x23: {  	s9 =	sor.u32 $0xD0000000, s2;
	s6 =	simm.s32 $0x108;
	_ =	swait.ge @!p0 [sflag:s8], $0x0  }
0x24: {  	s3 =	sadd.s32 $0x88, s3;
	s6 =	simm.s32 @!p1 $0x1082;
	[sflag:s4] =	ssyncset.s32 $0xFFFFF086  }
0x25: {  	[simem:s6], [sflag:s4] =	dma.local [hbm:s3], $0xF7A  }
0x26: {  	[smem:$0x3F9D] =	sst s1;
	(tag) =	ssettag s2;
	_ =	strace s9  }
0x27: {  	s1 =	sld [smem:$0x3FAD]  }
0x28: {  	s2 =	sld [smem:$0x3FAE]  }
0x29: {  	s4 =	sld [smem:$0x3FB0]  }
0x2a: {  	p0 =	seq.s32 s5, $0x0;
	s5 =	sld [smem:$0x3FB1]  }
0x2b: {  	s6 =	sld [smem:$0x3FB2]  }
0x2c: {  	s7 =	sld [smem:$0x3FB3]  }
0x2d: {  	s3 =	simm.s32 $0x108;
	s8 =	sld [smem:$0x3FB4]  }
0x2e: {  	s3 =	simm.s32 @!p0 $0x1082;
	s9 =	sld [smem:$0x3FB5]  }
0x2f: {  	lr =	sadd.s32 s0, s3;
	s0 =	sld [smem:$0x3FAC]  }
0x30: {  	s3 =	sld [smem:$0x3FAF]  }
0x31: {  	[smem:$0x3FB8] =	sst s10  }
0x32: {  	s10 =	sld [smem:$0x3FB6];
	_ =	sdelay $0x3  }
0x33: {  	p0 =	seq.s32 s10, $0x1;
	s10 =	sld [smem:$0x3FB8];
	_ =	sdelay $0x3  }
0x34: {  	[smem:$0x3FB8] =	sst s10  }
0x35: {  	s10 =	sld [smem:$0x3FB7];
	_ =	sdelay $0x3  }
0x36: {  	p1 =	seq.s32 s10, $0x1;
	s10 =	sld [smem:$0x3FB8];
	_ =	sdelay $0x3  }
0x37: {  	[smem:$0x3FB8] =	sst s10  }
0x38: {  	s10 =	sld [smem:$0x3FB9]  }
0x39: {  	_ = 	snop;
	(pc) =	sbr.ind lr, $3  }
0x3a: {  	_ = 	snop  }
0x3b: {  	_ = 	snop  }
0x3c: {  	p2 =	seq.s32 s10, $0x1;
	s10 =	sld [smem:$0x3FB8]  }
0x3d: {  	_ =	shalt  }
0x3e: {  	_ =	shalt  }
0x3f: {  	_ =	shalt  }
0x40: {  	_ =	shalt  }
0x41: {  	_ =	shalt  }
0x42: {  	_ =	shalt  }
0x43: {  	_ =	shalt  }
0x44: {  	_ =	shalt  }
0x45: {  	_ =	shalt  }
0x46: {  	_ =	shalt  }
0x47: {  	_ =	shalt  }
0x48: {  	_ =	shalt  }
0x49: {  	_ =	shalt  }
0x4a: {  	_ =	shalt  }
0x4b: {  	_ =	shalt  }
0x4c: {  	_ =	shalt  }
0x4d: {  	_ =	shalt  }
0x4e: {  	_ =	shalt  }
0x4f: {  	_ =	shalt  }
0x50: {  	_ =	shalt  }
0x51: {  	_ =	shalt  }
0x52: {  	_ =	shalt  }
0x53: {  	_ =	shalt  }
0x54: {  	_ =	shalt  }
0x55: {  	_ =	shalt  }
0x56: {  	_ =	shalt  }
0x57: {  	_ =	shalt  }
0x58: {  	_ =	shalt  }
0x59: {  	_ =	shalt  }
0x5a: {  	_ =	shalt  }
0x5b: {  	_ =	shalt  }
0x5c: {  	_ =	shalt  }
0x5d: {  	_ =	shalt  }
0x5e: {  	_ =	shalt  }
0x5f: {  	_ =	shalt  }
0x60: {  	_ =	shalt  }
0x61: {  	_ =	shalt  }
0x62: {  	_ =	shalt  }
0x63: {  	_ =	shalt  }
0x64: {  	_ =	shalt  }
0x65: {  	_ =	shalt  }
0x66: {  	_ =	shalt  }
0x67: {  	_ =	shalt  }
0x68: {  	_ =	shalt  }
0x69: {  	_ =	shalt  }
0x6a: {  	_ =	shalt  }
0x6b: {  	_ =	shalt  }
0x6c: {  	_ =	shalt  }
0x6d: {  	_ =	shalt  }
0x6e: {  	_ =	shalt  }
0x6f: {  	_ =	shalt  }
0x70: {  	_ =	shalt  }
0x71: {  	_ =	shalt  }
0x72: {  	_ =	shalt  }
0x73: {  	_ =	shalt  }
0x74: {  	_ =	shalt  }
0x75: {  	_ =	shalt  }
0x76: {  	_ =	shalt  }
0x77: {  	_ =	shalt  }
0x78: {  	_ =	shalt  }
0x79: {  	_ =	shalt  }
0x7a: {  	_ =	shalt  }
0x7b: {  	_ =	shalt  }
0x7c: {  	_ =	shalt  }
0x7d: {  	_ =	shalt  }
0x7e: {  	_ =	shalt  }
0x7f: {  	_ =	shalt  }
0x80: {  	_ =	shalt  }
0x81: {  	_ =	shalt  }
0x82: {  	_ =	shalt  }
0x83: {  	_ =	shalt  }
0x84: {  	_ =	shalt  }
0x85: {  	_ =	shalt  }
0x86: {  	_ =	shalt  }
0x87: {  	_ =	shalt  }
.Lfunc_end0:
.L_simem_size_0:
called_computation.2_lowered:
.L_overlay_start_0:
0x88: {  	s2 =	sld [smem:$0x3FD9]  }
0x89: {  	s3 =	sld [smem:$0x3FFE];
	_ =	sdelay $0x1  }
0x8a: {  	s1 =	srdreg.scid  }
0x8b: {  	s0 =	sand.u32 $0x1, s1  }
0x8c: {  	s17 =	sshll.u32 s0, $0xA;
	s2 =	sadd.s32 s3, s2  }
0x8d: {  	s2 =	sadd.s32 s2, s17  }
0x8e: {  	[smem:$0x3FC4] =	sst s2  }
0x8f: {  	_ = 	snop  }
0x90: {  	(tm) =	ssettm $0x1  }
0x91: {  	s18 =	sld [smem:$0x3FFB];
	_ =	sdelay $0x3  }
0x92: {  	_ =	strace s18  }
0x93: {  	s2 =	sld [smem:$0x3FFC];
	_ =	sdelay $0x3  }
0x94: {  	_ =	strace s2  }
0x95: {  	s2 =	sld [smem:$0x3FFD];
	_ =	sdelay $0x3  }
0x96: {  	_ =	strace s2  }
0x97: {  	_ =	strace $0x8FFFFFFF  }
0x98: {  	s19 =	sld [smem:$0x3FDB];
	_ =	sdelay $0x1  }
0x99: {  	s20 =	simm.s32 $_scs_section_size  }
0x9a: {  	s4 =	simm.s32 $_size__tile_overlayer_lowered;
	s5 =	simm.s32 $_tile_overlayer_lowered  }
0x9b: {  	s6 =	simm.s32 $0x1BFF;
	s21 =	sshll.u32 s5, $0x1;
	s3 =	sadd.s32 s20, s19  }
0x9c: {  	s22 =	simm.s32 $0x0;
	s4 =	sshll.u32 s4, $0x1;
	s5 =	sadd.s32 s21, s3  }
0x9d: {  	[timem:s22], [sflag:s6] =	dma.local [hbm:s5], s4  }
0x9e: {  	_ =	swait.ge [sflag:s6], s4  }
0x9f: {  	s4 =	ssub.s32 $0x0, s4;
	[sflag:s6] =	ssyncset.done $0x0  }
0xa0: {  	[sflag:s6] =	ssyncadd.s32 s4;
	_ =	sdelay $0x1  }
0xa1: {  	s23 =	simm.s32 $0x1B8B  }
0xa2: {  	_ =	swait.ge [sflag:s23], $0x1  }
0xa3: {  	[sflag:s23] =	ssyncset.done $0x0  }
0xa4: {  	[sflag:s23] =	ssyncadd.s32 $0xFFFFFFFF  }
0xa5: {  	s4 =	sld [smem:$0x0]  }
0xa6: {  	s5 =	sand.u32 $0xFFFFFFFE, s1  }
0xa7: {  	p0 =	sne.s32 s1, s5  }
0xa8: {  	s5 =	sshll.u32 @p0 s5, $0xE  }
0xa9: {  	s5 =	sadd.s32 @p0 $0x11B8D, s5;
	s6 =	sshll.u32 @p0 s4, $0x11  }
0xaa: {  	s5 =	sor.u32 @p0 s6, s5  }
0xab: {  	[sflag:s5] =	ssyncadd.remote.s32 @p0 $0x1;
	_ =	sdelay $0x1  }
0xac: {  	s5 =	simm.s32 @p0 $0x1B8D  }
0xad: {  	_ =	swait.eq @p0 [sflag:s5], $0x1  }
0xae: {  	[sflag:s5] =	ssyncadd.s32 @p0 $0xFFFFFFFF  }
0xaf: {  	s6 =	sshll.u32 @!p0 s1, $0xE  }
0xb0: {  	s6 =	sor.u32 @!p0 $0x4000, s6;
	s5 =	simm.s32 @!p0 $0x1B8D  }
0xb1: {  	s4 =	sshll.u32 @!p0 s4, $0x11;
	s6 =	sadd.s32 @!p0 $0x11B8D, s6;
	_ =	swait.eq @!p0 [sflag:s5], $0x1  }
0xb2: {  	s4 =	sor.u32 @!p0 s4, s6;
	[sflag:s5] =	ssyncadd.s32 @!p0 $0xFFFFFFFF  }
0xb3: {  	s25 =	simm.s32 $0x1B8E;
	s24 =	sld [smem:$0x3FFE];
	[sflag:s4] =	ssyncadd.remote.s32 @!p0 $0x1  }
0xb4: {  	s26 =	simm.s32 $execute0_lowered;
	[smem:$0x3FD2] =	sst s25  }
0xb5: {  	s5 =	sshll.u32 s26, $0x1;
	_ =	strace $0x8000005B;
	[dreg:$0x1] =	wrdreg $0xFFFFFFFF  }
0xb6: {  	s28 =	simm.s32 $_size_execute0_lowered;
	s3 =	sadd.s32 s3, s5;
	[dreg:$0x0] =	wrdreg $0x0  }
0xb7: {  	s5 =	sshll.u32 s28, $0x1;
	[dreg:$0x2] =	wrdreg s3  }
0xb8: {  	[dreg:$0x3] =	wrdreg s5  }
0xb9: {  	[dreg:$0x4] =	wrdreg $0xC0  }
0xba: {  	_ =	task [dreg:s22], $0x5FFFF  }
0xbb: {  	[dreg:$0x1] =	wrdreg $0xFFFFFFFF  }
0xbc: {  	[dreg:$0x0] =	wrdreg $0x60  }
0xbd: {  	[dreg:$0x2] =	wrdreg s24  }
0xbe: {  	[dreg:$0x3] =	wrdreg $0xA  }
0xbf: {  	_ =	task.clear_ibuf [dreg:s22], $0x4FFFF;
	_ =	strace $0x9000005B  }
0xc0: {  	s29 =	simm.s32 $0xA;
	_ =	strace $0x8000005D  }
0xc1: {  	_ =	swait.ge [sflag:s29], $0x1  }
0xc2: {  	[sflag:s29] =	ssyncadd.s32 $0xFFFFFFFF  }
0xc3: {  	_ =	strace $0x9000005D  }
0xc4: {  	_ =	sfence  }
0xc5: {  	s30 =	sld [smem:$0x0];
	_ =	sdelay $0x2  }
0xc6: {  	s31 =	sshll.u32 s1, $0xD;
	s1 =	sshrl.u32 s1, $0x2  }
0xc7: {  	s4 =	sand.u32 $0x4000, s31;
	s1 =	sadd.s32 s1, s30  }
0xc8: {  	s0 =	sor.u32 s4, s0;
	s1 =	sshll.u32 s1, $0x11  }
0xc9: {  	s0 =	sor.u32 s1, s0  }
0xca: {  	s0 =	sadd.s32 $0x8F2B, s0  }
0xcb: {  	[sflag:s0] =	ssyncadd.remote.s32 $0x1  }
0xcc: {  	_ =	sfence.sel $0xFFFF  }
0xcd: {  	[dreg:$0x0] =	wrdreg $0xFFFFFFFF;
	(pc) =	sbr.abs _section_cstart, $3  }
0xce: {  	[dreg:$0x1] =	wrdreg $0xFFFFFFFF  }
0xcf: {  	_ =	task.clear_ibuf [dreg:s22], $0x2FFFF;
	_ =	strace $0x9FFFFFFF  }
0xd0: {  	(tm) =	ssettm $0x7FFFFFFF  }
0xd1: {  	_ =	shalt  }
tec
execute0_lowered:
.L_overlay_start_1:
0x0: {  	(tag) =	ssettag $0x1  }
0x1: {  	s0 =	srdreg.scid;
	s5 =	rddreg [dreg:$0x0]  }
0x2: {  	s1 =	stileid.u32;
	s6 =	simm.s32 $0x1;
	s9 =	simm.s32 $0x1  }
0x3: {  	s10 =	simm.s32 $0x3;
	s13 =	simm.s32 $0x0;
	s2 =	sshll.u32 s0, $0x7  }
0x4: {  	s12 =	simm.s32 $0x0;
	s3 =	sshll.u32 s1, $0x8;
	s2 =	sand.u32 $0x80, s2  }
0x5: {  	s0 =	rddreg [dreg:$0x1];
	_ =	strace $0x8000005C;
	s2 =	sor.u32 s3, s2  }
0x6: {  	s4 =	sadd.s32 $0x2000, s5;
	[sflag:s6] =	ssyncpa.u1 $0x0;
	s8 =	ssub.s32 $0x2000, s2  }
.Ltmp0:
0x7: {  	s3 =	sadd.s32 $0x1000, s5;
	s7 =	sand.u32 $0xF80, s8;
	(pc) =	sbr.rel .LBB2_1-.Ltmp0, $4  }
0x8: {  	s5 =	sadd.s32 $0x3000, s5;
	s11 =	smov.u32 s2;
	p0 =	sne.s32 s7, $0x0  }
0x9: {  	s8 =	sshrl.u32 s8, $0xC;
	s7 =	simm.s32 $0x2;
	s9 =	simm.s32 @!p0 $0x0  }
0xa: {  	[sflag:s7] =	ssyncpa.u1 $0x0;
	p0 =	por $0x0, $0x0;
	s8 =	sadd.s32 s9, s8  }
0xb: {  	vm0 =	vmmov $0xffff;
	[sflag:s10] =	ssyncpa.u1 $0x0;
	s10 =	simm.s32 $0x0;
	s9 =	sadd.s32 $0x1, s8  }
.LBB2_4:
0xc: {  	v2 =	vnsel vm1, $0x0, v2  }
0xd: {  	vm1 =	vgt.s32 v0, $0x0;
	v2 =	vmin.u32 v2, $0x1FFF  }
0xe: {  	v0 =	vnsel vm1, $0x0, v0  }
0xf: {  	v0 =	vmin.u32 v0, $0x1FFF  }
0x10: {  	[tilespmem:s15], [sflag:$0x1] =	stream.indirect_vreg.gather [hbm4b:s3+s10], $0x1, v1, vm0, $0x4038;
	[tilespmem:$0x200] =	vst v63  }
0x11: {  	(ifvalue) =	ssetifvalue $0x7FFFFFFF  }
0x12: {  	[tilespmem:s16], [sflag:$0x1] =	stream.indirect_vreg.gather [hbm4b:s3+s10], $0x1, v2, vm0, $0x4038;
	[tilespmem:$0x200] =	vst v63  }
0x13: {  	s29 =	sadd.s32 $0x10, s16;
	(ifvalue) =	ssetifvalue $0x7FFFFFFF  }
0x14: {  	[tilespmem:s29], [sflag:$0x1] =	stream.indirect_vreg.gather [hbm4b:s3+s10], $0x1, v0, vm0, $0x4038;
	[tilespmem:$0x200] =	vst v63  }
0x15: {  	_ =	swait.ge [sflag:s6], $0x80  }
0x16: {  	s30 =	sshrl.u32 s13, $0x3;
	[sflag:s6] =	ssyncset.done $0x0  }
0x17: {  	s31 =	sand.u32 $0x7, s13;
	s15 =	sadd.s32 s5, s30;
	[sflag:s6] =	ssyncadd.s32 $0xFFFFFF80  }
0x18: {  	[hbm4b:s15+s31] =	stream.linear.scatter [tilespmem:s14], [sflag:$0x3], $0x80, $0x38;
	[tilespmem:$0x200] =	vst v63  }
.LBB2_5:
0x19: {  	s15 =	sadd.s32 $0x1000, s11  }
0x1a: {  	p2 =	sgt.s32 s15, $0x1FFF  }
0x1b: {  	s15 =	smov.u32 @p2 s2;
	p2 =	sne.s32 s12, s9  }
.Ltmp1:
0x1c: {  	p1 =	slt.u32 s12, $0x2;
	(pc) =	sbr.rel @!p2 .LBB2_6-.Ltmp1, $4  }
0x1d: {  	s14 =	simm.s32 @!p1 $0x3  }
0x1e: {  	s16 =	sadd.s32 $0x1, s12;
	_ =	swait.ge @!p1 [sflag:s14], $0x80  }
0x1f: {  	s13 =	smov.u32 s11;
	p0 =	por !p0, !p0;
	[sflag:s14] =	ssyncset.done @!p1 $0x0  }
0x20: {  	s12 =	smov.u32 s16;
	s11 =	smov.u32 s15;
	[sflag:s14] =	ssyncadd.s32 @!p1 $0xFFFFFF80  }
.LBB2_1:
0x21: {  	p1 =	sge.u32 s12, s8  }
0x22: {  	s14 =	sxor.u32 @!p1 $0xFFFFFFFF, s12  }
0x23: {  	s31 =	sadd.s32 $0xFFFFFFFF, s12;
	s15 =	sshrl.u32 @!p1 s11, $0x3;
	s14 =	sshll.u32 @!p1 s14, $0x7  }
0x24: {  	s16 =	sand.u32 @!p1 $0x7, s11;
	s15 =	sadd.s32 @!p1 s4, s15;
	s14 =	sand.u32 @!p1 $0x80, s14  }
0x25: {  	[tilespmem:s14], [sflag:$0x2] =	stream.linear.gather @!p1 [hbm4b:s15+s16], $0x80, $0x38;
	[tilespmem:$0x200] =	vst v63  }
0x26: {  	p1 =	sge.u32 s31, s8  }
.Ltmp2:
0x27: {  	_ = 	snop;
	(pc) =	sbr.rel @p1 .LBB2_5-.Ltmp2, $1  }
0x28: {  	_ =	sdelay $0x3  }
0x29: {  	s14 =	simm.s32 $0x1  }
0x2a: {  	_ =	swait.ge [sflag:s7], $0x80;
	s14 =	simm.s32 @!p0 $0x0  }
0x2b: {  	[sflag:s7] =	ssyncset.done $0x0;
	s14 =	sshll.u32 s14, $0x7  }
0x2c: {  	[sflag:s7] =	ssyncadd.s32 $0xFFFFFF80;
	(ifvalue) =	ssetifvalue $0x7FFFFFFF;
	v0 =	vld.msk [tilespmem:s14+$0x0 ss:$0x1], $0xffff;
	_ =	sdelay $0x4  }
0x2d: {  	s15 =	sadd.s32 $0x10, s14;
	vm1 =	vgt.s32 v0, $0x0  }
0x2e: {  	v2 =	vld.msk [tilespmem:s15+$0x0 ss:$0x1], $0xffff;
	v1 =	vnsel vm1, $0x0, v0  }
0x2f: {  	v1 =	vmin.u32 v1, $0x1FFF;
	_ =	sdelay $0x1  }
0x30: {  	s16 =	sshll.u32 s12, $0x7;
	s18 =	simm.s32 $0x20  }
0x31: {  	s16 =	sand.u32 $0x80, s16;
	s17 =	sadd.s32 $0x10, s15;
	s15 =	sor.u32 $0x100, s14  }
0x32: {  	s14 =	sor.u32 $0x100, s16;
	s16 =	sadd.s32 $0x10, s15;
	v0 =	vld.msk [tilespmem:s17+$0x0 ss:$0x1], $0xffff;
	vm1 =	vgt.s32 v2, $0x0;
	(ifvalue) =	ssetifvalue $0x7FFFFFFF  }
.LBB2_3:
0x33: {  	[tilespmem:s15], [sflag:$0x1] =	stream.indirect_vreg.gather [hbm4b:s3+s10], $0x1, v1, vm0, $0x4038;
	[tilespmem:$0x200] =	vst v63  }
0x34: {  	s18 =	sadd.s32 $0x10, s18  }
0x35: {  	v2 =	vnsel vm1, $0x0, v2;
	p1 =	slt.u32 s18, $0x70  }
.Ltmp3:
0x36: {  	s15 =	smov.u32 s16;
	v1 =	vmin.u32 v2, $0x1FFF;
	(pc) =	sbr.rel @p1 .LBB2_3-.Ltmp3, $3  }
0x37: {  	_ =	sdelay $0x1  }
0x38: {  	s17 =	sadd.s32 $0x10, s17  }
0x39: {  	vm1 =	vgt.s32 v0, $0x0;
	s16 =	sadd.s32 $0x10, s16;
	v2 =	vmov v0;
	(ifvalue) =	ssetifvalue $0x7FFFFFFF;
	v0 =	vld.msk [tilespmem:s17+$0x0 ss:$0x1], $0xffff  }
.Ltmp4:
0x3a: {  	_ = 	snop;
	(pc) =	sbr.rel .LBB2_4-.Ltmp4, $1  }
0x3b: {  	_ =	sdelay $0x3  }
.LBB2_6:
0x3c: {  	_ =	sfence.sel $0x180000  }
0x3d: {  	s2 =	simm.s32 $0x2;
	[bflag:$0x0] =	sbarrier.arrive $0xFFFF  }
0x3e: {  	s30 =	simm.s32 $0x3;
	[sflag:s2] =	ssyncpa.u1 $0x1  }
0x3f: {  	s31 =	simm.s32 $0x1;
	[sflag:s30] =	ssyncpa.u1 $0x1  }
0x40: {  	[sflag:s31] =	ssyncpa.u1 $0x1  }
0x41: {  	p0 =	sne.s32 s1, $0x0;
	_ =	strace $0x9000005C  }
0x42: {  	s0 =	sadd.s32 @!p0 $0x100000, s0;
	[bflag:$0x2] =	sbarrier.arrive $0xFFFF  }
0x43: {  	[sflag:s0] =	ssyncadd.tile.s32 @!p0 $0x1;
	_ =	shalt  }
.Lfunc_end2:
_tile_overlayer_lowered:
.L_overlay_start_2:
0x44: {  	(tag) =	ssettag $0x2  }
0x45: {  	s0 =	rddreg [dreg:$0x0];
	s2 =	stileid.u32  }
0x46: {  	s1 =	rddreg [dreg:$0x1];
	p0 =	sne.s32 s2, $0x0  }
0x47: {  	s3 =	rddreg [dreg:$0x2];
	[bflag:$0x3] =	sbarrier.arrive $0xFFFF;
	s2 =	simm.s32 @!p0 $0x1C01  }
0x48: {  	[timem:s3], [sflag:s2] =	dma.local @!p0 [hbm:s0], s1  }
0x49: {  	s0 =	simm.s32 @!p0 $0x1  }
0x4a: {  	_ =	swait.ge @!p0 [sflag:s0], s1  }
0x4b: {  	s1 =	ssub.s32 @!p0 $0x0, s1;
	[sflag:s0] =	ssyncset.done @!p0 $0x0  }
0x4c: {  	[sflag:s0] =	ssyncadd.s32 @!p0 s1  }
0x4d: {  	[bflag:$0x3] =	sbarrier.arrive $0xFFFF  }
0x4e: {  	_ =	shalt  }

// kernel: gather_offload_async_start.3
scs
__scs_entry_jumppad:
0x0: {  	(pc) =	sbr.rel $0x88, $3  }
0x1: {  	(tag) =	ssettag $0x0;
	lr =	simm.s32 $0x1  }
0x2: {  	[smem:$0x3F9D] =	sst lr;
	_ =	strace $0xD0000000  }
0x3: {  	_ = 	snop  }
0x4: {  	_ = 	snop  }
0x5: {  	_ = 	snop  }
0x6: {  	_ = 	snop  }
0x7: {  	_ = 	snop  }
__scs_overlays_trampoline_lowered:
0x8: {  	[smem:$0x3FAC] =	sst s0  }
0x9: {  	[smem:$0x3FAD] =	sst s1  }
0xa: {  	[smem:$0x3FAE] =	sst s2  }
0xb: {  	[smem:$0x3FAF] =	sst s3  }
0xc: {  	[smem:$0x3FB0] =	sst s4  }
0xd: {  	[smem:$0x3FB1] =	sst s5  }
0xe: {  	[smem:$0x3FB2] =	sst s6  }
0xf: {  	[smem:$0x3FB3] =	sst s7  }
0x10: {  	[smem:$0x3FB4] =	sst s8  }
0x11: {  	[smem:$0x3FB5] =	sst s9;
	s0 =	simm.s32 @!p0 $0x0  }
0x12: {  	s1 =	sld [smem:$0x3F9B];
	s0 =	simm.s32 @p0 $0x1  }
0x13: {  	[smem:$0x3FB6] =	sst s0;
	s0 =	simm.s32 @!p1 $0x0  }
0x14: {  	s2 =	sld [smem:$0x3F9A];
	s0 =	simm.s32 @p1 $0x1  }
0x15: {  	[smem:$0x3FB7] =	sst s0;
	s0 =	simm.s32 @!p2 $0x0  }
0x16: {  	s3 =	sld [smem:$0x3FDB];
	s0 =	simm.s32 @p2 $0x1  }
0x17: {  	s4 =	simm.s32 $0x1BF5;
	[smem:$0x3FB9] =	sst s0  }
0x18: {  	s0 =	sld [smem:$0x3F9C];
	_ =	swait.ge [sflag:s4], $0x0  }
0x19: {  	s7 =	sld [smem:$0x3F9D]  }
0x1a: {  	s8 =	sadd.s32 $0xFFFFE003, lr  }
0x1b: {  	s9 =	sadd.s32 $0xFFFFFEF7, lr;
	s5 =	simm.s32 $0xFFFFFFFF;
	p2 =	slt.u32 s8, $0xFFFFF086  }
0x1c: {  	p1 =	slt.u32 s9, $0xF7A;
	s5 =	simm.s32 @!p2 $0x0  }
0x1d: {  	s5 =	simm.s32 @p1 $0x1;
	p0 =	seq.s32 s7, s2  }
0x1e: {  	s7 =	smul.u32 @!p0 $0xF7A, s2;
	p2 =	seq.s32 @!p0 s5, $0x0  }
0x1f: {  	s9 =	smul.u32 $0xF7A, s1;
	s8 =	simm.s32 @!p0 $0x1BF5;
	p2 =	por !p2, p0  }
0x20: {  	[sflag:s8] =	ssyncset.s32 @!p0 $0xFFFFF086;
	s6 =	sadd.s32 @!p0 s3, s7;
	s7 =	simm.s32 @!p0 $0x108  }
0x21: {  	s3 =	sadd.s32 s3, s9;
	s6 =	sadd.s32 @!p0 $0x88, s6;
	s7 =	simm.s32 @p2 $0x1082  }
0x22: {  	[simem:s7], [sflag:s8] =	dma.local @!p0 [hbm:s6], $0xF7A  }
0x23: {  	s9 =	sor.u32 $0xD0000000, s2;
	s6 =	simm.s32 $0x108;
	_ =	swait.ge @!p0 [sflag:s8], $0x0  }
0x24: {  	s3 =	sadd.s32 $0x88, s3;
	s6 =	simm.s32 @!p1 $0x1082;
	[sflag:s4] =	ssyncset.s32 $0xFFFFF086  }
0x25: {  	[simem:s6], [sflag:s4] =	dma.local [hbm:s3], $0xF7A  }
0x26: {  	[smem:$0x3F9D] =	sst s1;
	(tag) =	ssettag s2;
	_ =	strace s9  }
0x27: {  	s1 =	sld [smem:$0x3FAD]  }
0x28: {  	s2 =	sld [smem:$0x3FAE]  }
0x29: {  	s4 =	sld [smem:$0x3FB0]  }
0x2a: {  	p0 =	seq.s32 s5, $0x0;
	s5 =	sld [smem:$0x3FB1]  }
0x2b: {  	s6 =	sld [smem:$0x3FB2]  }
0x2c: {  	s7 =	sld [smem:$0x3FB3]  }
0x2d: {  	s3 =	simm.s32 $0x108;
	s8 =	sld [smem:$0x3FB4]  }
0x2e: {  	s3 =	simm.s32 @!p0 $0x1082;
	s9 =	sld [smem:$0x3FB5]  }
0x2f: {  	lr =	sadd.s32 s0, s3;
	s0 =	sld [smem:$0x3FAC]  }
0x30: {  	s3 =	sld [smem:$0x3FAF]  }
0x31: {  	[smem:$0x3FB8] =	sst s10  }
0x32: {  	s10 =	sld [smem:$0x3FB6];
	_ =	sdelay $0x3  }
0x33: {  	p0 =	seq.s32 s10, $0x1;
	s10 =	sld [smem:$0x3FB8];
	_ =	sdelay $0x3  }
0x34: {  	[smem:$0x3FB8] =	sst s10  }
0x35: {  	s10 =	sld [smem:$0x3FB7];
	_ =	sdelay $0x3  }
0x36: {  	p1 =	seq.s32 s10, $0x1;
	s10 =	sld [smem:$0x3FB8];
	_ =	sdelay $0x3  }
0x37: {  	[smem:$0x3FB8] =	sst s10  }
0x38: {  	s10 =	sld [smem:$0x3FB9]  }
0x39: {  	_ = 	snop;
	(pc) =	sbr.ind lr, $3  }
0x3a: {  	_ = 	snop  }
0x3b: {  	_ = 	snop  }
0x3c: {  	p2 =	seq.s32 s10, $0x1;
	s10 =	sld [smem:$0x3FB8]  }
0x3d: {  	_ =	shalt  }
0x3e: {  	_ =	shalt  }
0x3f: {  	_ =	shalt  }
0x40: {  	_ =	shalt  }
0x41: {  	_ =	shalt  }
0x42: {  	_ =	shalt  }
0x43: {  	_ =	shalt  }
0x44: {  	_ =	shalt  }
0x45: {  	_ =	shalt  }
0x46: {  	_ =	shalt  }
0x47: {  	_ =	shalt  }
0x48: {  	_ =	shalt  }
0x49: {  	_ =	shalt  }
0x4a: {  	_ =	shalt  }
0x4b: {  	_ =	shalt  }
0x4c: {  	_ =	shalt  }
0x4d: {  	_ =	shalt  }
0x4e: {  	_ =	shalt  }
0x4f: {  	_ =	shalt  }
0x50: {  	_ =	shalt  }
0x51: {  	_ =	shalt  }
0x52: {  	_ =	shalt  }
0x53: {  	_ =	shalt  }
0x54: {  	_ =	shalt  }
0x55: {  	_ =	shalt  }
0x56: {  	_ =	shalt  }
0x57: {  	_ =	shalt  }
0x58: {  	_ =	shalt  }
0x59: {  	_ =	shalt  }
0x5a: {  	_ =	shalt  }
0x5b: {  	_ =	shalt  }
0x5c: {  	_ =	shalt  }
0x5d: {  	_ =	shalt  }
0x5e: {  	_ =	shalt  }
0x5f: {  	_ =	shalt  }
0x60: {  	_ =	shalt  }
0x61: {  	_ =	shalt  }
0x62: {  	_ =	shalt  }
0x63: {  	_ =	shalt  }
0x64: {  	_ =	shalt  }
0x65: {  	_ =	shalt  }
0x66: {  	_ =	shalt  }
0x67: {  	_ =	shalt  }
0x68: {  	_ =	shalt  }
0x69: {  	_ =	shalt  }
0x6a: {  	_ =	shalt  }
0x6b: {  	_ =	shalt  }
0x6c: {  	_ =	shalt  }
0x6d: {  	_ =	shalt  }
0x6e: {  	_ =	shalt  }
0x6f: {  	_ =	shalt  }
0x70: {  	_ =	shalt  }
0x71: {  	_ =	shalt  }
0x72: {  	_ =	shalt  }
0x73: {  	_ =	shalt  }
0x74: {  	_ =	shalt  }
0x75: {  	_ =	shalt  }
0x76: {  	_ =	shalt  }
0x77: {  	_ =	shalt  }
0x78: {  	_ =	shalt  }
0x79: {  	_ =	shalt  }
0x7a: {  	_ =	shalt  }
0x7b: {  	_ =	shalt  }
0x7c: {  	_ =	shalt  }
0x7d: {  	_ =	shalt  }
0x7e: {  	_ =	shalt  }
0x7f: {  	_ =	shalt  }
0x80: {  	_ =	shalt  }
0x81: {  	_ =	shalt  }
0x82: {  	_ =	shalt  }
0x83: {  	_ =	shalt  }
0x84: {  	_ =	shalt  }
0x85: {  	_ =	shalt  }
0x86: {  	_ =	shalt  }
0x87: {  	_ =	shalt  }
.Lfunc_end0:
.L_simem_size_0:
called_computation.3_lowered:
.L_overlay_start_0:
0x88: {  	s2 =	sld [smem:$0x3FD9]  }
0x89: {  	s3 =	sld [smem:$0x3FFE];
	_ =	sdelay $0x1  }
0x8a: {  	s1 =	srdreg.scid  }
0x8b: {  	s0 =	sand.u32 $0x1, s1  }
0x8c: {  	s17 =	sshll.u32 s0, $0xA;
	s2 =	sadd.s32 s3, s2  }
0x8d: {  	s2 =	sadd.s32 s2, s17  }
0x8e: {  	[smem:$0x3FC4] =	sst s2  }
0x8f: {  	_ = 	snop  }
0x90: {  	(tm) =	ssettm $0x1  }
0x91: {  	s18 =	sld [smem:$0x3FFB];
	_ =	sdelay $0x3  }
0x92: {  	_ =	strace s18  }
0x93: {  	s2 =	sld [smem:$0x3FFC];
	_ =	sdelay $0x3  }
0x94: {  	_ =	strace s2  }
0x95: {  	s2 =	sld [smem:$0x3FFD];
	_ =	sdelay $0x3  }
0x96: {  	_ =	strace s2  }
0x97: {  	_ =	strace $0x8FFFFFFF  }
0x98: {  	s19 =	sld [smem:$0x3FDB];
	_ =	sdelay $0x1  }
0x99: {  	s20 =	simm.s32 $_scs_section_size  }
0x9a: {  	s4 =	simm.s32 $_size__tile_overlayer_lowered;
	s5 =	simm.s32 $_tile_overlayer_lowered  }
0x9b: {  	s6 =	simm.s32 $0x1BFF;
	s21 =	sshll.u32 s5, $0x1;
	s3 =	sadd.s32 s20, s19  }
0x9c: {  	s22 =	simm.s32 $0x0;
	s4 =	sshll.u32 s4, $0x1;
	s5 =	sadd.s32 s21, s3  }
0x9d: {  	[timem:s22], [sflag:s6] =	dma.local [hbm:s5], s4  }
0x9e: {  	_ =	swait.ge [sflag:s6], s4  }
0x9f: {  	s4 =	ssub.s32 $0x0, s4;
	[sflag:s6] =	ssyncset.done $0x0  }
0xa0: {  	[sflag:s6] =	ssyncadd.s32 s4;
	_ =	sdelay $0x1  }
0xa1: {  	s23 =	simm.s32 $0x1B8B  }
0xa2: {  	_ =	swait.ge [sflag:s23], $0x1  }
0xa3: {  	[sflag:s23] =	ssyncset.done $0x0  }
0xa4: {  	[sflag:s23] =	ssyncadd.s32 $0xFFFFFFFF  }
0xa5: {  	s4 =	sld [smem:$0x0]  }
0xa6: {  	s5 =	sand.u32 $0xFFFFFFFE, s1  }
0xa7: {  	p0 =	sne.s32 s1, s5  }
0xa8: {  	s5 =	sshll.u32 @p0 s5, $0xE  }
0xa9: {  	s5 =	sadd.s32 @p0 $0x11B8D, s5;
	s6 =	sshll.u32 @p0 s4, $0x11  }
0xaa: {  	s5 =	sor.u32 @p0 s6, s5  }
0xab: {  	[sflag:s5] =	ssyncadd.remote.s32 @p0 $0x1;
	_ =	sdelay $0x1  }
0xac: {  	s5 =	simm.s32 @p0 $0x1B8D  }
0xad: {  	_ =	swait.eq @p0 [sflag:s5], $0x1  }
0xae: {  	[sflag:s5] =	ssyncadd.s32 @p0 $0xFFFFFFFF  }
0xaf: {  	s6 =	sshll.u32 @!p0 s1, $0xE  }
0xb0: {  	s6 =	sor.u32 @!p0 $0x4000, s6;
	s5 =	simm.s32 @!p0 $0x1B8D  }
0xb1: {  	s4 =	sshll.u32 @!p0 s4, $0x11;
	s6 =	sadd.s32 @!p0 $0x11B8D, s6;
	_ =	swait.eq @!p0 [sflag:s5], $0x1  }
0xb2: {  	s4 =	sor.u32 @!p0 s4, s6;
	[sflag:s5] =	ssyncadd.s32 @!p0 $0xFFFFFFFF  }
0xb3: {  	s25 =	simm.s32 $0x1B8E;
	s24 =	sld [smem:$0x3FFE];
	[sflag:s4] =	ssyncadd.remote.s32 @!p0 $0x1  }
0xb4: {  	s26 =	simm.s32 $execute0_lowered;
	[smem:$0x3FD2] =	sst s25  }
0xb5: {  	s5 =	sshll.u32 s26, $0x1;
	_ =	strace $0x80000058;
	[dreg:$0x1] =	wrdreg $0xFFFFFFFF  }
0xb6: {  	s28 =	simm.s32 $_size_execute0_lowered;
	s3 =	sadd.s32 s3, s5;
	[dreg:$0x0] =	wrdreg $0x0  }
0xb7: {  	s5 =	sshll.u32 s28, $0x1;
	[dreg:$0x2] =	wrdreg s3  }
0xb8: {  	[dreg:$0x3] =	wrdreg s5  }
0xb9: {  	[dreg:$0x4] =	wrdreg $0xC0  }
0xba: {  	_ =	task [dreg:s22], $0x5FFFF  }
0xbb: {  	[dreg:$0x1] =	wrdreg $0xFFFFFFFF  }
0xbc: {  	[dreg:$0x0] =	wrdreg $0x60  }
0xbd: {  	[dreg:$0x2] =	wrdreg s24  }
0xbe: {  	[dreg:$0x3] =	wrdreg $0xB  }
0xbf: {  	_ =	task.clear_ibuf [dreg:s22], $0x4FFFF;
	_ =	strace $0x90000058  }
0xc0: {  	s29 =	simm.s32 $0xB;
	_ =	strace $0x8000005A  }
0xc1: {  	_ =	swait.ge [sflag:s29], $0x1  }
0xc2: {  	[sflag:s29] =	ssyncadd.s32 $0xFFFFFFFF  }
0xc3: {  	_ =	strace $0x9000005A  }
0xc4: {  	_ =	sfence  }
0xc5: {  	s30 =	sld [smem:$0x0];
	_ =	sdelay $0x2  }
0xc6: {  	s31 =	sshll.u32 s1, $0xD;
	s1 =	sshrl.u32 s1, $0x2  }
0xc7: {  	s4 =	sand.u32 $0x4000, s31;
	s1 =	sadd.s32 s1, s30  }
0xc8: {  	s0 =	sor.u32 s4, s0;
	s1 =	sshll.u32 s1, $0x11  }
0xc9: {  	s0 =	sor.u32 s1, s0  }
0xca: {  	s0 =	sadd.s32 $0x8F2B, s0  }
0xcb: {  	[sflag:s0] =	ssyncadd.remote.s32 $0x1  }
0xcc: {  	_ =	sfence.sel $0xFFFF  }
0xcd: {  	[dreg:$0x0] =	wrdreg $0xFFFFFFFF;
	(pc) =	sbr.abs _section_cstart, $3  }
0xce: {  	[dreg:$0x1] =	wrdreg $0xFFFFFFFF  }
0xcf: {  	_ =	task.clear_ibuf [dreg:s22], $0x2FFFF;
	_ =	strace $0x9FFFFFFF  }
0xd0: {  	(tm) =	ssettm $0x7FFFFFFF  }
0xd1: {  	_ =	shalt  }
tec
execute0_lowered:
.L_overlay_start_1:
0x0: {  	(tag) =	ssettag $0x1  }
0x1: {  	s0 =	srdreg.scid;
	s5 =	rddreg [dreg:$0x0]  }
0x2: {  	s1 =	stileid.u32;
	s6 =	simm.s32 $0x1;
	s9 =	simm.s32 $0x1  }
0x3: {  	s10 =	simm.s32 $0x3;
	s13 =	simm.s32 $0x0;
	s2 =	sshll.u32 s0, $0x7  }
0x4: {  	s12 =	simm.s32 $0x0;
	s3 =	sshll.u32 s1, $0x8;
	s2 =	sand.u32 $0x80, s2  }
0x5: {  	s0 =	rddreg [dreg:$0x1];
	_ =	strace $0x80000059;
	s2 =	sor.u32 s3, s2  }
0x6: {  	s4 =	sadd.s32 $0x2000, s5;
	[sflag:s6] =	ssyncpa.u1 $0x0;
	s8 =	ssub.s32 $0x2000, s2  }
.Ltmp0:
0x7: {  	s3 =	sadd.s32 $0xC00, s5;
	s7 =	sand.u32 $0xF80, s8;
	(pc) =	sbr.rel .LBB2_1-.Ltmp0, $4  }
0x8: {  	s5 =	sadd.s32 $0x2C00, s5;
	s11 =	smov.u32 s2;
	p0 =	sne.s32 s7, $0x0  }
0x9: {  	s8 =	sshrl.u32 s8, $0xC;
	s7 =	simm.s32 $0x2;
	s9 =	simm.s32 @!p0 $0x0  }
0xa: {  	[sflag:s7] =	ssyncpa.u1 $0x0;
	p0 =	por $0x0, $0x0;
	s8 =	sadd.s32 s9, s8  }
0xb: {  	vm0 =	vmmov $0xffff;
	[sflag:s10] =	ssyncpa.u1 $0x0;
	s10 =	simm.s32 $0x0;
	s9 =	sadd.s32 $0x1, s8  }
.LBB2_4:
0xc: {  	v2 =	vnsel vm1, $0x0, v2  }
0xd: {  	vm1 =	vgt.s32 v0, $0x0;
	v2 =	vmin.u32 v2, $0x1FFF  }
0xe: {  	v0 =	vnsel vm1, $0x0, v0  }
0xf: {  	v0 =	vmin.u32 v0, $0x1FFF  }
0x10: {  	[tilespmem:s15], [sflag:$0x1] =	stream.indirect_vreg.gather [hbm4b:s3+s10], $0x1, v1, vm0, $0x4038;
	[tilespmem:$0x200] =	vst v63  }
0x11: {  	(ifvalue) =	ssetifvalue $0x7FFFFFFF  }
0x12: {  	[tilespmem:s16], [sflag:$0x1] =	stream.indirect_vreg.gather [hbm4b:s3+s10], $0x1, v2, vm0, $0x4038;
	[tilespmem:$0x200] =	vst v63  }
0x13: {  	s29 =	sadd.s32 $0x10, s16;
	(ifvalue) =	ssetifvalue $0x7FFFFFFF  }
0x14: {  	[tilespmem:s29], [sflag:$0x1] =	stream.indirect_vreg.gather [hbm4b:s3+s10], $0x1, v0, vm0, $0x4038;
	[tilespmem:$0x200] =	vst v63  }
0x15: {  	_ =	swait.ge [sflag:s6], $0x80  }
0x16: {  	s30 =	sshrl.u32 s13, $0x3;
	[sflag:s6] =	ssyncset.done $0x0  }
0x17: {  	s31 =	sand.u32 $0x7, s13;
	s15 =	sadd.s32 s5, s30;
	[sflag:s6] =	ssyncadd.s32 $0xFFFFFF80  }
0x18: {  	[hbm4b:s15+s31] =	stream.linear.scatter [tilespmem:s14], [sflag:$0x3], $0x80, $0x38;
	[tilespmem:$0x200] =	vst v63  }
.LBB2_5:
0x19: {  	s15 =	sadd.s32 $0x1000, s11  }
0x1a: {  	p2 =	sgt.s32 s15, $0x1FFF  }
0x1b: {  	s15 =	smov.u32 @p2 s2;
	p2 =	sne.s32 s12, s9  }
.Ltmp1:
0x1c: {  	p1 =	slt.u32 s12, $0x2;
	(pc) =	sbr.rel @!p2 .LBB2_6-.Ltmp1, $4  }
0x1d: {  	s14 =	simm.s32 @!p1 $0x3  }
0x1e: {  	s16 =	sadd.s32 $0x1, s12;
	_ =	swait.ge @!p1 [sflag:s14], $0x80  }
0x1f: {  	s13 =	smov.u32 s11;
	p0 =	por !p0, !p0;
	[sflag:s14] =	ssyncset.done @!p1 $0x0  }
0x20: {  	s12 =	smov.u32 s16;
	s11 =	smov.u32 s15;
	[sflag:s14] =	ssyncadd.s32 @!p1 $0xFFFFFF80  }
.LBB2_1:
0x21: {  	p1 =	sge.u32 s12, s8  }
0x22: {  	s14 =	sxor.u32 @!p1 $0xFFFFFFFF, s12  }
0x23: {  	s31 =	sadd.s32 $0xFFFFFFFF, s12;
	s15 =	sshrl.u32 @!p1 s11, $0x3;
	s14 =	sshll.u32 @!p1 s14, $0x7  }
0x24: {  	s16 =	sand.u32 @!p1 $0x7, s11;
	s15 =	sadd.s32 @!p1 s4, s15;
	s14 =	sand.u32 @!p1 $0x80, s14  }
0x25: {  	[tilespmem:s14], [sflag:$0x2] =	stream.linear.gather @!p1 [hbm4b:s15+s16], $0x80, $0x38;
	[tilespmem:$0x200] =	vst v63  }
0x26: {  	p1 =	sge.u32 s31, s8  }
.Ltmp2:
0x27: {  	_ = 	snop;
	(pc) =	sbr.rel @p1 .LBB2_5-.Ltmp2, $1  }
0x28: {  	_ =	sdelay $0x3  }
0x29: {  	s14 =	simm.s32 $0x1  }
0x2a: {  	_ =	swait.ge [sflag:s7], $0x80;
	s14 =	simm.s32 @!p0 $0x0  }
0x2b: {  	[sflag:s7] =	ssyncset.done $0x0;
	s14 =	sshll.u32 s14, $0x7  }
0x2c: {  	[sflag:s7] =	ssyncadd.s32 $0xFFFFFF80;
	(ifvalue) =	ssetifvalue $0x7FFFFFFF;
	v0 =	vld.msk [tilespmem:s14+$0x0 ss:$0x1], $0xffff;
	_ =	sdelay $0x4  }
0x2d: {  	s15 =	sadd.s32 $0x10, s14;
	vm1 =	vgt.s32 v0, $0x0  }
0x2e: {  	v2 =	vld.msk [tilespmem:s15+$0x0 ss:$0x1], $0xffff;
	v1 =	vnsel vm1, $0x0, v0  }
0x2f: {  	v1 =	vmin.u32 v1, $0x1FFF;
	_ =	sdelay $0x1  }
0x30: {  	s16 =	sshll.u32 s12, $0x7;
	s18 =	simm.s32 $0x20  }
0x31: {  	s16 =	sand.u32 $0x80, s16;
	s17 =	sadd.s32 $0x10, s15;
	s15 =	sor.u32 $0x100, s14  }
0x32: {  	s14 =	sor.u32 $0x100, s16;
	s16 =	sadd.s32 $0x10, s15;
	v0 =	vld.msk [tilespmem:s17+$0x0 ss:$0x1], $0xffff;
	vm1 =	vgt.s32 v2, $0x0;
	(ifvalue) =	ssetifvalue $0x7FFFFFFF  }
.LBB2_3:
0x33: {  	[tilespmem:s15], [sflag:$0x1] =	stream.indirect_vreg.gather [hbm4b:s3+s10], $0x1, v1, vm0, $0x4038;
	[tilespmem:$0x200] =	vst v63  }
0x34: {  	s18 =	sadd.s32 $0x10, s18  }
0x35: {  	v2 =	vnsel vm1, $0x0, v2;
	p1 =	slt.u32 s18, $0x70  }
.Ltmp3:
0x36: {  	s15 =	smov.u32 s16;
	v1 =	vmin.u32 v2, $0x1FFF;
	(pc) =	sbr.rel @p1 .LBB2_3-.Ltmp3, $3  }
0x37: {  	_ =	sdelay $0x1  }
0x38: {  	s17 =	sadd.s32 $0x10, s17  }
0x39: {  	vm1 =	vgt.s32 v0, $0x0;
	s16 =	sadd.s32 $0x10, s16;
	v2 =	vmov v0;
	(ifvalue) =	ssetifvalue $0x7FFFFFFF;
	v0 =	vld.msk [tilespmem:s17+$0x0 ss:$0x1], $0xffff  }
.Ltmp4:
0x3a: {  	_ = 	snop;
	(pc) =	sbr.rel .LBB2_4-.Ltmp4, $1  }
0x3b: {  	_ =	sdelay $0x3  }
.LBB2_6:
0x3c: {  	_ =	sfence.sel $0x180000  }
0x3d: {  	s2 =	simm.s32 $0x2;
	[bflag:$0x0] =	sbarrier.arrive $0xFFFF  }
0x3e: {  	s30 =	simm.s32 $0x3;
	[sflag:s2] =	ssyncpa.u1 $0x1  }
0x3f: {  	s31 =	simm.s32 $0x1;
	[sflag:s30] =	ssyncpa.u1 $0x1  }
0x40: {  	[sflag:s31] =	ssyncpa.u1 $0x1  }
0x41: {  	p0 =	sne.s32 s1, $0x0;
	_ =	strace $0x90000059  }
0x42: {  	s0 =	sadd.s32 @!p0 $0x100000, s0;
	[bflag:$0x2] =	sbarrier.arrive $0xFFFF  }
0x43: {  	[sflag:s0] =	ssyncadd.tile.s32 @!p0 $0x1;
	_ =	shalt  }
.Lfunc_end2:
_tile_overlayer_lowered:
.L_overlay_start_2:
0x44: {  	(tag) =	ssettag $0x2  }
0x45: {  	s0 =	rddreg [dreg:$0x0];
	s2 =	stileid.u32  }
0x46: {  	s1 =	rddreg [dreg:$0x1];
	p0 =	sne.s32 s2, $0x0  }
0x47: {  	s3 =	rddreg [dreg:$0x2];
	[bflag:$0x3] =	sbarrier.arrive $0xFFFF;
	s2 =	simm.s32 @!p0 $0x1C01  }
0x48: {  	[timem:s3], [sflag:s2] =	dma.local @!p0 [hbm:s0], s1  }
0x49: {  	s0 =	simm.s32 @!p0 $0x1  }
0x4a: {  	_ =	swait.ge @!p0 [sflag:s0], s1  }
0x4b: {  	s1 =	ssub.s32 @!p0 $0x0, s1;
	[sflag:s0] =	ssyncset.done @!p0 $0x0  }
0x4c: {  	[sflag:s0] =	ssyncadd.s32 @!p0 s1  }
0x4d: {  	[bflag:$0x3] =	sbarrier.arrive $0xFFFF  }
0x4e: {  	_ =	shalt  }

// kernel: gather_offload_async_start.4
scs
__scs_entry_jumppad:
0x0: {  	(pc) =	sbr.rel $0x88, $3  }
0x1: {  	(tag) =	ssettag $0x0;
	lr =	simm.s32 $0x1  }
0x2: {  	[smem:$0x3F9D] =	sst lr;
	_ =	strace $0xD0000000  }
0x3: {  	_ = 	snop  }
0x4: {  	_ = 	snop  }
0x5: {  	_ = 	snop  }
0x6: {  	_ = 	snop  }
0x7: {  	_ = 	snop  }
__scs_overlays_trampoline_lowered:
0x8: {  	[smem:$0x3FAC] =	sst s0  }
0x9: {  	[smem:$0x3FAD] =	sst s1  }
0xa: {  	[smem:$0x3FAE] =	sst s2  }
0xb: {  	[smem:$0x3FAF] =	sst s3  }
0xc: {  	[smem:$0x3FB0] =	sst s4  }
0xd: {  	[smem:$0x3FB1] =	sst s5  }
0xe: {  	[smem:$0x3FB2] =	sst s6  }
0xf: {  	[smem:$0x3FB3] =	sst s7  }
0x10: {  	[smem:$0x3FB4] =	sst s8  }
0x11: {  	[smem:$0x3FB5] =	sst s9;
	s0 =	simm.s32 @!p0 $0x0  }
0x12: {  	s1 =	sld [smem:$0x3F9B];
	s0 =	simm.s32 @p0 $0x1  }
0x13: {  	[smem:$0x3FB6] =	sst s0;
	s0 =	simm.s32 @!p1 $0x0  }
0x14: {  	s2 =	sld [smem:$0x3F9A];
	s0 =	simm.s32 @p1 $0x1  }
0x15: {  	[smem:$0x3FB7] =	sst s0;
	s0 =	simm.s32 @!p2 $0x0  }
0x16: {  	s3 =	sld [smem:$0x3FDB];
	s0 =	simm.s32 @p2 $0x1  }
0x17: {  	s4 =	simm.s32 $0x1BF5;
	[smem:$0x3FB9] =	sst s0  }
0x18: {  	s0 =	sld [smem:$0x3F9C];
	_ =	swait.ge [sflag:s4], $0x0  }
0x19: {  	s7 =	sld [smem:$0x3F9D]  }
0x1a: {  	s8 =	sadd.s32 $0xFFFFE003, lr  }
0x1b: {  	s9 =	sadd.s32 $0xFFFFFEF7, lr;
	s5 =	simm.s32 $0xFFFFFFFF;
	p2 =	slt.u32 s8, $0xFFFFF086  }
0x1c: {  	p1 =	slt.u32 s9, $0xF7A;
	s5 =	simm.s32 @!p2 $0x0  }
0x1d: {  	s5 =	simm.s32 @p1 $0x1;
	p0 =	seq.s32 s7, s2  }
0x1e: {  	s7 =	smul.u32 @!p0 $0xF7A, s2;
	p2 =	seq.s32 @!p0 s5, $0x0  }
0x1f: {  	s9 =	smul.u32 $0xF7A, s1;
	s8 =	simm.s32 @!p0 $0x1BF5;
	p2 =	por !p2, p0  }
0x20: {  	[sflag:s8] =	ssyncset.s32 @!p0 $0xFFFFF086;
	s6 =	sadd.s32 @!p0 s3, s7;
	s7 =	simm.s32 @!p0 $0x108  }
0x21: {  	s3 =	sadd.s32 s3, s9;
	s6 =	sadd.s32 @!p0 $0x88, s6;
	s7 =	simm.s32 @p2 $0x1082  }
0x22: {  	[simem:s7], [sflag:s8] =	dma.local @!p0 [hbm:s6], $0xF7A  }
0x23: {  	s9 =	sor.u32 $0xD0000000, s2;
	s6 =	simm.s32 $0x108;
	_ =	swait.ge @!p0 [sflag:s8], $0x0  }
0x24: {  	s3 =	sadd.s32 $0x88, s3;
	s6 =	simm.s32 @!p1 $0x1082;
	[sflag:s4] =	ssyncset.s32 $0xFFFFF086  }
0x25: {  	[simem:s6], [sflag:s4] =	dma.local [hbm:s3], $0xF7A  }
0x26: {  	[smem:$0x3F9D] =	sst s1;
	(tag) =	ssettag s2;
	_ =	strace s9  }
0x27: {  	s1 =	sld [smem:$0x3FAD]  }
0x28: {  	s2 =	sld [smem:$0x3FAE]  }
0x29: {  	s4 =	sld [smem:$0x3FB0]  }
0x2a: {  	p0 =	seq.s32 s5, $0x0;
	s5 =	sld [smem:$0x3FB1]  }
0x2b: {  	s6 =	sld [smem:$0x3FB2]  }
0x2c: {  	s7 =	sld [smem:$0x3FB3]  }
0x2d: {  	s3 =	simm.s32 $0x108;
	s8 =	sld [smem:$0x3FB4]  }
0x2e: {  	s3 =	simm.s32 @!p0 $0x1082;
	s9 =	sld [smem:$0x3FB5]  }
0x2f: {  	lr =	sadd.s32 s0, s3;
	s0 =	sld [smem:$0x3FAC]  }
0x30: {  	s3 =	sld [smem:$0x3FAF]  }
0x31: {  	[smem:$0x3FB8] =	sst s10  }
0x32: {  	s10 =	sld [smem:$0x3FB6];
	_ =	sdelay $0x3  }
0x33: {  	p0 =	seq.s32 s10, $0x1;
	s10 =	sld [smem:$0x3FB8];
	_ =	sdelay $0x3  }
0x34: {  	[smem:$0x3FB8] =	sst s10  }
0x35: {  	s10 =	sld [smem:$0x3FB7];
	_ =	sdelay $0x3  }
0x36: {  	p1 =	seq.s32 s10, $0x1;
	s10 =	sld [smem:$0x3FB8];
	_ =	sdelay $0x3  }
0x37: {  	[smem:$0x3FB8] =	sst s10  }
0x38: {  	s10 =	sld [smem:$0x3FB9]  }
0x39: {  	_ = 	snop;
	(pc) =	sbr.ind lr, $3  }
0x3a: {  	_ = 	snop  }
0x3b: {  	_ = 	snop  }
0x3c: {  	p2 =	seq.s32 s10, $0x1;
	s10 =	sld [smem:$0x3FB8]  }
0x3d: {  	_ =	shalt  }
0x3e: {  	_ =	shalt  }
0x3f: {  	_ =	shalt  }
0x40: {  	_ =	shalt  }
0x41: {  	_ =	shalt  }
0x42: {  	_ =	shalt  }
0x43: {  	_ =	shalt  }
0x44: {  	_ =	shalt  }
0x45: {  	_ =	shalt  }
0x46: {  	_ =	shalt  }
0x47: {  	_ =	shalt  }
0x48: {  	_ =	shalt  }
0x49: {  	_ =	shalt  }
0x4a: {  	_ =	shalt  }
0x4b: {  	_ =	shalt  }
0x4c: {  	_ =	shalt  }
0x4d: {  	_ =	shalt  }
0x4e: {  	_ =	shalt  }
0x4f: {  	_ =	shalt  }
0x50: {  	_ =	shalt  }
0x51: {  	_ =	shalt  }
0x52: {  	_ =	shalt  }
0x53: {  	_ =	shalt  }
0x54: {  	_ =	shalt  }
0x55: {  	_ =	shalt  }
0x56: {  	_ =	shalt  }
0x57: {  	_ =	shalt  }
0x58: {  	_ =	shalt  }
0x59: {  	_ =	shalt  }
0x5a: {  	_ =	shalt  }
0x5b: {  	_ =	shalt  }
0x5c: {  	_ =	shalt  }
0x5d: {  	_ =	shalt  }
0x5e: {  	_ =	shalt  }
0x5f: {  	_ =	shalt  }
0x60: {  	_ =	shalt  }
0x61: {  	_ =	shalt  }
0x62: {  	_ =	shalt  }
0x63: {  	_ =	shalt  }
0x64: {  	_ =	shalt  }
0x65: {  	_ =	shalt  }
0x66: {  	_ =	shalt  }
0x67: {  	_ =	shalt  }
0x68: {  	_ =	shalt  }
0x69: {  	_ =	shalt  }
0x6a: {  	_ =	shalt  }
0x6b: {  	_ =	shalt  }
0x6c: {  	_ =	shalt  }
0x6d: {  	_ =	shalt  }
0x6e: {  	_ =	shalt  }
0x6f: {  	_ =	shalt  }
0x70: {  	_ =	shalt  }
0x71: {  	_ =	shalt  }
0x72: {  	_ =	shalt  }
0x73: {  	_ =	shalt  }
0x74: {  	_ =	shalt  }
0x75: {  	_ =	shalt  }
0x76: {  	_ =	shalt  }
0x77: {  	_ =	shalt  }
0x78: {  	_ =	shalt  }
0x79: {  	_ =	shalt  }
0x7a: {  	_ =	shalt  }
0x7b: {  	_ =	shalt  }
0x7c: {  	_ =	shalt  }
0x7d: {  	_ =	shalt  }
0x7e: {  	_ =	shalt  }
0x7f: {  	_ =	shalt  }
0x80: {  	_ =	shalt  }
0x81: {  	_ =	shalt  }
0x82: {  	_ =	shalt  }
0x83: {  	_ =	shalt  }
0x84: {  	_ =	shalt  }
0x85: {  	_ =	shalt  }
0x86: {  	_ =	shalt  }
0x87: {  	_ =	shalt  }
.Lfunc_end0:
.L_simem_size_0:
called_computation.4_lowered:
.L_overlay_start_0:
0x88: {  	s2 =	sld [smem:$0x3FD9]  }
0x89: {  	s3 =	sld [smem:$0x3FFE];
	_ =	sdelay $0x1  }
0x8a: {  	s1 =	srdreg.scid  }
0x8b: {  	s0 =	sand.u32 $0x1, s1  }
0x8c: {  	s15 =	sshll.u32 s0, $0xA;
	s2 =	sadd.s32 s3, s2  }
0x8d: {  	s2 =	sadd.s32 s2, s15  }
0x8e: {  	[smem:$0x3FC4] =	sst s2  }
0x8f: {  	_ = 	snop  }
0x90: {  	s2 =	sld [smem:$0x3FD0];
	_ =	sdelay $0x2  }
0x91: {  	s16 =	simm.s32 $0xF;
	s4 =	simm.s32 $0x10  }
0x92: {  	[smem:s4], [sflag:s16] =	dma.local [hbm:s2], $0x1  }
0x93: {  	_ =	swait.eq [sflag:s16], $0x1  }
0x94: {  	[sflag:s16] =	ssyncset.done $0x0  }
0x95: {  	[sflag:s16] =	ssyncadd.s32 $0xFFFFFFFF  }
0x96: {  	s17 =	sld [smem:$0x10];
	(tm) =	ssettm $0x1  }
0x97: {  	s18 =	sld [smem:$0x3FFB];
	_ =	sdelay $0x3  }
0x98: {  	_ =	strace s18  }
0x99: {  	s2 =	sld [smem:$0x3FFC];
	_ =	sdelay $0x3  }
0x9a: {  	_ =	strace s2  }
0x9b: {  	s2 =	sld [smem:$0x3FFD];
	_ =	sdelay $0x3  }
0x9c: {  	_ =	strace s2  }
0x9d: {  	_ =	strace $0x8FFFFFFF  }
0x9e: {  	s19 =	sld [smem:$0x3FDB];
	_ =	sdelay $0x1  }
0x9f: {  	s20 =	simm.s32 $_scs_section_size  }
0xa0: {  	s5 =	simm.s32 $_size__tile_overlayer_lowered;
	s6 =	simm.s32 $_tile_overlayer_lowered  }
0xa1: {  	s7 =	simm.s32 $0x1BFF;
	s21 =	sshll.u32 s6, $0x1;
	s4 =	sadd.s32 s20, s19  }
0xa2: {  	s22 =	simm.s32 $0x0;
	s5 =	sshll.u32 s5, $0x1;
	s6 =	sadd.s32 s21, s4  }
0xa3: {  	[timem:s22], [sflag:s7] =	dma.local [hbm:s6], s5  }
0xa4: {  	_ =	swait.ge [sflag:s7], s5  }
0xa5: {  	s5 =	ssub.s32 $0x0, s5;
	[sflag:s7] =	ssyncset.done $0x0  }
0xa6: {  	[sflag:s7] =	ssyncadd.s32 s5;
	_ =	sdelay $0x1  }
0xa7: {  	s23 =	simm.s32 $0x1B8B  }
0xa8: {  	_ =	swait.ge [sflag:s23], $0x1  }
0xa9: {  	[sflag:s23] =	ssyncset.done $0x0  }
0xaa: {  	[sflag:s23] =	ssyncadd.s32 $0xFFFFFFFF  }
0xab: {  	s5 =	sld [smem:$0x0]  }
0xac: {  	s6 =	sand.u32 $0xFFFFFFFE, s1  }
0xad: {  	p0 =	sne.s32 s1, s6  }
0xae: {  	s6 =	sshll.u32 @p0 s6, $0xE  }
0xaf: {  	s6 =	sadd.s32 @p0 $0x11B8D, s6;
	s7 =	sshll.u32 @p0 s5, $0x11  }
0xb0: {  	s6 =	sor.u32 @p0 s7, s6  }
0xb1: {  	[sflag:s6] =	ssyncadd.remote.s32 @p0 $0x1;
	_ =	sdelay $0x1  }
0xb2: {  	s6 =	simm.s32 @p0 $0x1B8D  }
0xb3: {  	_ =	swait.eq @p0 [sflag:s6], $0x1  }
0xb4: {  	[sflag:s6] =	ssyncadd.s32 @p0 $0xFFFFFFFF  }
0xb5: {  	s7 =	sshll.u32 @!p0 s1, $0xE  }
0xb6: {  	s7 =	sor.u32 @!p0 $0x4000, s7;
	s6 =	simm.s32 @!p0 $0x1B8D  }
0xb7: {  	s5 =	sshll.u32 @!p0 s5, $0x11;
	s7 =	sadd.s32 @!p0 $0x11B8D, s7;
	_ =	swait.eq @!p0 [sflag:s6], $0x1  }
0xb8: {  	s5 =	sor.u32 @!p0 s5, s7;
	[sflag:s6] =	ssyncadd.s32 @!p0 $0xFFFFFFFF  }
0xb9: {  	s25 =	simm.s32 $0x1B8E;
	s24 =	sld [smem:$0x3FFE];
	[sflag:s5] =	ssyncadd.remote.s32 @!p0 $0x1  }
0xba: {  	s26 =	simm.s32 $execute0_lowered;
	[smem:$0x3FD2] =	sst s25  }
0xbb: {  	s6 =	sshll.u32 s26, $0x1;
	_ =	strace $0x80000055;
	[dreg:$0x1] =	wrdreg $0xFFFFFFFF  }
0xbc: {  	s28 =	simm.s32 $_size_execute0_lowered;
	s4 =	sadd.s32 s4, s6;
	[dreg:$0x0] =	wrdreg $0x0  }
0xbd: {  	s6 =	sshll.u32 s28, $0x1;
	[dreg:$0x2] =	wrdreg s4  }
0xbe: {  	[dreg:$0x3] =	wrdreg s6  }
0xbf: {  	[dreg:$0x4] =	wrdreg $0xC0  }
0xc0: {  	_ =	task [dreg:s22], $0x5FFFF  }
0xc1: {  	[dreg:$0x1] =	wrdreg $0xFFFFFFFF  }
0xc2: {  	[dreg:$0x0] =	wrdreg $0x60  }
0xc3: {  	[dreg:$0x2] =	wrdreg s17  }
0xc4: {  	[dreg:$0x3] =	wrdreg s24  }
0xc5: {  	[dreg:$0x4] =	wrdreg $0xC  }
0xc6: {  	_ =	task.clear_ibuf [dreg:s22], $0x5FFFF;
	_ =	strace $0x90000055  }
0xc7: {  	s29 =	simm.s32 $0xC;
	_ =	strace $0x80000057  }
0xc8: {  	_ =	swait.ge [sflag:s29], $0x1  }
0xc9: {  	[sflag:s29] =	ssyncadd.s32 $0xFFFFFFFF  }
0xca: {  	_ =	strace $0x90000057  }
0xcb: {  	_ =	sfence  }
0xcc: {  	s30 =	sld [smem:$0x0];
	_ =	sdelay $0x2  }
0xcd: {  	s31 =	sshll.u32 s1, $0xD;
	s1 =	sshrl.u32 s1, $0x2  }
0xce: {  	s4 =	sand.u32 $0x4000, s31;
	s1 =	sadd.s32 s1, s30  }
0xcf: {  	s0 =	sor.u32 s4, s0;
	s1 =	sshll.u32 s1, $0x11  }
0xd0: {  	s0 =	sor.u32 s1, s0  }
0xd1: {  	s0 =	sadd.s32 $0x8F2B, s0  }
0xd2: {  	[sflag:s0] =	ssyncadd.remote.s32 $0x1  }
0xd3: {  	_ =	sfence.sel $0xFFFF  }
0xd4: {  	[dreg:$0x0] =	wrdreg $0xFFFFFFFF;
	(pc) =	sbr.abs _section_cstart, $3  }
0xd5: {  	[dreg:$0x1] =	wrdreg $0xFFFFFFFF  }
0xd6: {  	_ =	task.clear_ibuf [dreg:s22], $0x2FFFF;
	_ =	strace $0x9FFFFFFF  }
0xd7: {  	(tm) =	ssettm $0x7FFFFFFF  }
tec
execute0_lowered:
.L_overlay_start_1:
0x0: {  	(tag) =	ssettag $0x1  }
0x1: {  	s1 =	srdreg.scid;
	s2 =	rddreg [dreg:$0x0]  }
0x2: {  	s0 =	stileid.u32;
	s5 =	rddreg [dreg:$0x1];
	s6 =	simm.s32 $0x1  }
0x3: {  	s9 =	simm.s32 $0x1;
	s10 =	simm.s32 $0x3;
	s1 =	sshll.u32 s1, $0x7  }
0x4: {  	s13 =	simm.s32 $0x0;
	s3 =	sshll.u32 s0, $0x8;
	s4 =	sand.u32 $0x80, s1  }
0x5: {  	s12 =	simm.s32 $0x0;
	s1 =	rddreg [dreg:$0x2];
	s3 =	sor.u32 s3, s4  }
0x6: {  	_ =	strace $0x80000056;
	s4 =	sadd.s32 $0x2000, s5;
	s8 =	ssub.s32 $0x2000, s3  }
.Ltmp0:
0x7: {  	s5 =	sadd.s32 $0x2800, s5;
	s7 =	sand.u32 $0xF80, s8;
	(pc) =	sbr.rel .LBB2_1-.Ltmp0, $4  }
0x8: {  	[sflag:s6] =	ssyncpa.u1 $0x0;
	s11 =	smov.u32 s3;
	p0 =	sne.s32 s7, $0x0  }
0x9: {  	s8 =	sshrl.u32 s8, $0xC;
	s7 =	simm.s32 $0x2;
	s9 =	simm.s32 @!p0 $0x0  }
0xa: {  	[sflag:s7] =	ssyncpa.u1 $0x0;
	p0 =	por $0x0, $0x0;
	s8 =	sadd.s32 s9, s8  }
0xb: {  	vm0 =	vmmov $0xffff;
	[sflag:s10] =	ssyncpa.u1 $0x0;
	s10 =	simm.s32 $0x0;
	s9 =	sadd.s32 $0x1, s8  }
.LBB2_4:
0xc: {  	v2 =	vnsel vm1, $0x0, v2  }
0xd: {  	vm1 =	vgt.s32 v0, $0x0;
	v2 =	vmin.u32 v2, $0x1FFF  }
0xe: {  	v0 =	vnsel vm1, $0x0, v0  }
0xf: {  	v0 =	vmin.u32 v0, $0x1FFF  }
0x10: {  	[tilespmem:s15], [sflag:$0x1] =	stream.indirect_vreg.gather [hbm4b:s2+s10], $0x1, v1, vm0, $0x4038;
	[tilespmem:$0x200] =	vst v63  }
0x11: {  	(ifvalue) =	ssetifvalue $0x7FFFFFFF  }
0x12: {  	[tilespmem:s16], [sflag:$0x1] =	stream.indirect_vreg.gather [hbm4b:s2+s10], $0x1, v2, vm0, $0x4038;
	[tilespmem:$0x200] =	vst v63  }
0x13: {  	s29 =	sadd.s32 $0x10, s16;
	(ifvalue) =	ssetifvalue $0x7FFFFFFF  }
0x14: {  	[tilespmem:s29], [sflag:$0x1] =	stream.indirect_vreg.gather [hbm4b:s2+s10], $0x1, v0, vm0, $0x4038;
	[tilespmem:$0x200] =	vst v63  }
0x15: {  	_ =	swait.ge [sflag:s6], $0x80  }
0x16: {  	s30 =	sshrl.u32 s13, $0x3;
	[sflag:s6] =	ssyncset.done $0x0  }
0x17: {  	s31 =	sand.u32 $0x7, s13;
	s15 =	sadd.s32 s5, s30;
	[sflag:s6] =	ssyncadd.s32 $0xFFFFFF80  }
0x18: {  	[hbm4b:s15+s31] =	stream.linear.scatter [tilespmem:s14], [sflag:$0x3], $0x80, $0x38;
	[tilespmem:$0x200] =	vst v63  }
.LBB2_5:
0x19: {  	s15 =	sadd.s32 $0x1000, s11  }
0x1a: {  	p2 =	sgt.s32 s15, $0x1FFF  }
0x1b: {  	s15 =	smov.u32 @p2 s3;
	p2 =	sne.s32 s12, s9  }
.Ltmp1:
0x1c: {  	p1 =	slt.u32 s12, $0x2;
	(pc) =	sbr.rel @!p2 .LBB2_6-.Ltmp1, $4  }
0x1d: {  	s14 =	simm.s32 @!p1 $0x3  }
0x1e: {  	s16 =	sadd.s32 $0x1, s12;
	_ =	swait.ge @!p1 [sflag:s14], $0x80  }
0x1f: {  	s13 =	smov.u32 s11;
	p0 =	por !p0, !p0;
	[sflag:s14] =	ssyncset.done @!p1 $0x0  }
0x20: {  	s12 =	smov.u32 s16;
	s11 =	smov.u32 s15;
	[sflag:s14] =	ssyncadd.s32 @!p1 $0xFFFFFF80  }
.LBB2_1:
0x21: {  	p1 =	sge.u32 s12, s8  }
0x22: {  	s14 =	sxor.u32 @!p1 $0xFFFFFFFF, s12  }
0x23: {  	s31 =	sadd.s32 $0xFFFFFFFF, s12;
	s15 =	sshrl.u32 @!p1 s11, $0x3;
	s14 =	sshll.u32 @!p1 s14, $0x7  }
0x24: {  	s16 =	sand.u32 @!p1 $0x7, s11;
	s15 =	sadd.s32 @!p1 s4, s15;
	s14 =	sand.u32 @!p1 $0x80, s14  }
0x25: {  	[tilespmem:s14], [sflag:$0x2] =	stream.linear.gather @!p1 [hbm4b:s15+s16], $0x80, $0x38;
	[tilespmem:$0x200] =	vst v63  }
0x26: {  	p1 =	sge.u32 s31, s8  }
.Ltmp2:
0x27: {  	_ = 	snop;
	(pc) =	sbr.rel @p1 .LBB2_5-.Ltmp2, $1  }
0x28: {  	_ =	sdelay $0x3  }
0x29: {  	s14 =	simm.s32 $0x1  }
0x2a: {  	_ =	swait.ge [sflag:s7], $0x80;
	s14 =	simm.s32 @!p0 $0x0  }
0x2b: {  	[sflag:s7] =	ssyncset.done $0x0;
	s14 =	sshll.u32 s14, $0x7  }
0x2c: {  	[sflag:s7] =	ssyncadd.s32 $0xFFFFFF80;
	(ifvalue) =	ssetifvalue $0x7FFFFFFF;
	v0 =	vld.msk [tilespmem:s14+$0x0 ss:$0x1], $0xffff;
	_ =	sdelay $0x4  }
0x2d: {  	s15 =	sadd.s32 $0x10, s14;
	vm1 =	vgt.s32 v0, $0x0  }
0x2e: {  	v2 =	vld.msk [tilespmem:s15+$0x0 ss:$0x1], $0xffff;
	v1 =	vnsel vm1, $0x0, v0  }
0x2f: {  	v1 =	vmin.u32 v1, $0x1FFF;
	_ =	sdelay $0x1  }
0x30: {  	s16 =	sshll.u32 s12, $0x7;
	s18 =	simm.s32 $0x20  }
0x31: {  	s16 =	sand.u32 $0x80, s16;
	s17 =	sadd.s32 $0x10, s15;
	s15 =	sor.u32 $0x100, s14  }
0x32: {  	s14 =	sor.u32 $0x100, s16;
	s16 =	sadd.s32 $0x10, s15;
	v0 =	vld.msk [tilespmem:s17+$0x0 ss:$0x1], $0xffff;
	vm1 =	vgt.s32 v2, $0x0;
	(ifvalue) =	ssetifvalue $0x7FFFFFFF  }
.LBB2_3:
0x33: {  	[tilespmem:s15], [sflag:$0x1] =	stream.indirect_vreg.gather [hbm4b:s2+s10], $0x1, v1, vm0, $0x4038;
	[tilespmem:$0x200] =	vst v63  }
0x34: {  	s18 =	sadd.s32 $0x10, s18  }
0x35: {  	v2 =	vnsel vm1, $0x0, v2;
	p1 =	slt.u32 s18, $0x70  }
.Ltmp3:
0x36: {  	s15 =	smov.u32 s16;
	v1 =	vmin.u32 v2, $0x1FFF;
	(pc) =	sbr.rel @p1 .LBB2_3-.Ltmp3, $3  }
0x37: {  	_ =	sdelay $0x1  }
0x38: {  	s17 =	sadd.s32 $0x10, s17  }
0x39: {  	vm1 =	vgt.s32 v0, $0x0;
	s16 =	sadd.s32 $0x10, s16;
	v2 =	vmov v0;
	(ifvalue) =	ssetifvalue $0x7FFFFFFF;
	v0 =	vld.msk [tilespmem:s17+$0x0 ss:$0x1], $0xffff  }
.Ltmp4:
0x3a: {  	_ = 	snop;
	(pc) =	sbr.rel .LBB2_4-.Ltmp4, $1  }
0x3b: {  	_ =	sdelay $0x3  }
.LBB2_6:
0x3c: {  	_ =	sfence.sel $0x180000  }
0x3d: {  	s2 =	simm.s32 $0x2;
	[bflag:$0x0] =	sbarrier.arrive $0xFFFF  }
0x3e: {  	s30 =	simm.s32 $0x3;
	[sflag:s2] =	ssyncpa.u1 $0x1  }
0x3f: {  	s31 =	simm.s32 $0x1;
	[sflag:s30] =	ssyncpa.u1 $0x1  }
0x40: {  	[sflag:s31] =	ssyncpa.u1 $0x1  }
0x41: {  	p0 =	sne.s32 s0, $0x0;
	_ =	strace $0x90000056  }
0x42: {  	s0 =	sadd.s32 @!p0 $0x100000, s1;
	[bflag:$0x2] =	sbarrier.arrive $0xFFFF  }
0x43: {  	[sflag:s0] =	ssyncadd.tile.s32 @!p0 $0x1;
	_ =	shalt  }
.Lfunc_end2:
_tile_overlayer_lowered:
.L_overlay_start_2:
0x44: {  	(tag) =	ssettag $0x2  }
0x45: {  	s0 =	rddreg [dreg:$0x0];
	s2 =	stileid.u32  }
0x46: {  	s1 =	rddreg [dreg:$0x1];
	p0 =	sne.s32 s2, $0x0  }
0x47: {  	s3 =	rddreg [dreg:$0x2];
	[bflag:$0x3] =	sbarrier.arrive $0xFFFF;
	s2 =	simm.s32 @!p0 $0x1C01  }
0x48: {  	[timem:s3], [sflag:s2] =	dma.local @!p0 [hbm:s0], s1  }
0x49: {  	s0 =	simm.s32 @!p0 $0x1  }
0x4a: {  	_ =	swait.ge @!p0 [sflag:s0], s1  }
0x4b: {  	s1 =	ssub.s32 @!p0 $0x0, s1;
	[sflag:s0] =	ssyncset.done @!p0 $0x0  }
0x4c: {  	[sflag:s0] =	ssyncadd.s32 @!p0 s1  }
0x4d: {  	[bflag:$0x3] =	sbarrier.arrive $0xFFFF  }
0x4e: {  	_ =	shalt  }

// kernel: gather_offload_async_start.5
scs
__scs_entry_jumppad:
0x0: {  	(pc) =	sbr.rel $0x88, $3  }
0x1: {  	(tag) =	ssettag $0x0;
	lr =	simm.s32 $0x1  }
0x2: {  	[smem:$0x3F9D] =	sst lr;
	_ =	strace $0xD0000000  }
0x3: {  	_ = 	snop  }
0x4: {  	_ = 	snop  }
0x5: {  	_ = 	snop  }
0x6: {  	_ = 	snop  }
0x7: {  	_ = 	snop  }
__scs_overlays_trampoline_lowered:
0x8: {  	[smem:$0x3FAC] =	sst s0  }
0x9: {  	[smem:$0x3FAD] =	sst s1  }
0xa: {  	[smem:$0x3FAE] =	sst s2  }
0xb: {  	[smem:$0x3FAF] =	sst s3  }
0xc: {  	[smem:$0x3FB0] =	sst s4  }
0xd: {  	[smem:$0x3FB1] =	sst s5  }
0xe: {  	[smem:$0x3FB2] =	sst s6  }
0xf: {  	[smem:$0x3FB3] =	sst s7  }
0x10: {  	[smem:$0x3FB4] =	sst s8  }
0x11: {  	[smem:$0x3FB5] =	sst s9;
	s0 =	simm.s32 @!p0 $0x0  }
0x12: {  	s1 =	sld [smem:$0x3F9B];
	s0 =	simm.s32 @p0 $0x1  }
0x13: {  	[smem:$0x3FB6] =	sst s0;
	s0 =	simm.s32 @!p1 $0x0  }
0x14: {  	s2 =	sld [smem:$0x3F9A];
	s0 =	simm.s32 @p1 $0x1  }
0x15: {  	[smem:$0x3FB7] =	sst s0;
	s0 =	simm.s32 @!p2 $0x0  }
0x16: {  	s3 =	sld [smem:$0x3FDB];
	s0 =	simm.s32 @p2 $0x1  }
0x17: {  	s4 =	simm.s32 $0x1BF5;
	[smem:$0x3FB9] =	sst s0  }
0x18: {  	s0 =	sld [smem:$0x3F9C];
	_ =	swait.ge [sflag:s4], $0x0  }
0x19: {  	s7 =	sld [smem:$0x3F9D]  }
0x1a: {  	s8 =	sadd.s32 $0xFFFFE003, lr  }
0x1b: {  	s9 =	sadd.s32 $0xFFFFFEF7, lr;
	s5 =	simm.s32 $0xFFFFFFFF;
	p2 =	slt.u32 s8, $0xFFFFF086  }
0x1c: {  	p1 =	slt.u32 s9, $0xF7A;
	s5 =	simm.s32 @!p2 $0x0  }
0x1d: {  	s5 =	simm.s32 @p1 $0x1;
	p0 =	seq.s32 s7, s2  }
0x1e: {  	s7 =	smul.u32 @!p0 $0xF7A, s2;
	p2 =	seq.s32 @!p0 s5, $0x0  }
0x1f: {  	s9 =	smul.u32 $0xF7A, s1;
	s8 =	simm.s32 @!p0 $0x1BF5;
	p2 =	por !p2, p0  }
0x20: {  	[sflag:s8] =	ssyncset.s32 @!p0 $0xFFFFF086;
	s6 =	sadd.s32 @!p0 s3, s7;
	s7 =	simm.s32 @!p0 $0x108  }
0x21: {  	s3 =	sadd.s32 s3, s9;
	s6 =	sadd.s32 @!p0 $0x88, s6;
	s7 =	simm.s32 @p2 $0x1082  }
0x22: {  	[simem:s7], [sflag:s8] =	dma.local @!p0 [hbm:s6], $0xF7A  }
0x23: {  	s9 =	sor.u32 $0xD0000000, s2;
	s6 =	simm.s32 $0x108;
	_ =	swait.ge @!p0 [sflag:s8], $0x0  }
0x24: {  	s3 =	sadd.s32 $0x88, s3;
	s6 =	simm.s32 @!p1 $0x1082;
	[sflag:s4] =	ssyncset.s32 $0xFFFFF086  }
0x25: {  	[simem:s6], [sflag:s4] =	dma.local [hbm:s3], $0xF7A  }
0x26: {  	[smem:$0x3F9D] =	sst s1;
	(tag) =	ssettag s2;
	_ =	strace s9  }
0x27: {  	s1 =	sld [smem:$0x3FAD]  }
0x28: {  	s2 =	sld [smem:$0x3FAE]  }
0x29: {  	s4 =	sld [smem:$0x3FB0]  }
0x2a: {  	p0 =	seq.s32 s5, $0x0;
	s5 =	sld [smem:$0x3FB1]  }
0x2b: {  	s6 =	sld [smem:$0x3FB2]  }
0x2c: {  	s7 =	sld [smem:$0x3FB3]  }
0x2d: {  	s3 =	simm.s32 $0x108;
	s8 =	sld [smem:$0x3FB4]  }
0x2e: {  	s3 =	simm.s32 @!p0 $0x1082;
	s9 =	sld [smem:$0x3FB5]  }
0x2f: {  	lr =	sadd.s32 s0, s3;
	s0 =	sld [smem:$0x3FAC]  }
0x30: {  	s3 =	sld [smem:$0x3FAF]  }
0x31: {  	[smem:$0x3FB8] =	sst s10  }
0x32: {  	s10 =	sld [smem:$0x3FB6];
	_ =	sdelay $0x3  }
0x33: {  	p0 =	seq.s32 s10, $0x1;
	s10 =	sld [smem:$0x3FB8];
	_ =	sdelay $0x3  }
0x34: {  	[smem:$0x3FB8] =	sst s10  }
0x35: {  	s10 =	sld [smem:$0x3FB7];
	_ =	sdelay $0x3  }
0x36: {  	p1 =	seq.s32 s10, $0x1;
	s10 =	sld [smem:$0x3FB8];
	_ =	sdelay $0x3  }
0x37: {  	[smem:$0x3FB8] =	sst s10  }
0x38: {  	s10 =	sld [smem:$0x3FB9]  }
0x39: {  	_ = 	snop;
	(pc) =	sbr.ind lr, $3  }
0x3a: {  	_ = 	snop  }
0x3b: {  	_ = 	snop  }
0x3c: {  	p2 =	seq.s32 s10, $0x1;
	s10 =	sld [smem:$0x3FB8]  }
0x3d: {  	_ =	shalt  }
0x3e: {  	_ =	shalt  }
0x3f: {  	_ =	shalt  }
0x40: {  	_ =	shalt  }
0x41: {  	_ =	shalt  }
0x42: {  	_ =	shalt  }
0x43: {  	_ =	shalt  }
0x44: {  	_ =	shalt  }
0x45: {  	_ =	shalt  }
0x46: {  	_ =	shalt  }
0x47: {  	_ =	shalt  }
0x48: {  	_ =	shalt  }
0x49: {  	_ =	shalt  }
0x4a: {  	_ =	shalt  }
0x4b: {  	_ =	shalt  }
0x4c: {  	_ =	shalt  }
0x4d: {  	_ =	shalt  }
0x4e: {  	_ =	shalt  }
0x4f: {  	_ =	shalt  }
0x50: {  	_ =	shalt  }
0x51: {  	_ =	shalt  }
0x52: {  	_ =	shalt  }
0x53: {  	_ =	shalt  }
0x54: {  	_ =	shalt  }
0x55: {  	_ =	shalt  }
0x56: {  	_ =	shalt  }
0x57: {  	_ =	shalt  }
0x58: {  	_ =	shalt  }
0x59: {  	_ =	shalt  }
0x5a: {  	_ =	shalt  }
0x5b: {  	_ =	shalt  }
0x5c: {  	_ =	shalt  }
0x5d: {  	_ =	shalt  }
0x5e: {  	_ =	shalt  }
0x5f: {  	_ =	shalt  }
0x60: {  	_ =	shalt  }
0x61: {  	_ =	shalt  }
0x62: {  	_ =	shalt  }
0x63: {  	_ =	shalt  }
0x64: {  	_ =	shalt  }
0x65: {  	_ =	shalt  }
0x66: {  	_ =	shalt  }
0x67: {  	_ =	shalt  }
0x68: {  	_ =	shalt  }
0x69: {  	_ =	shalt  }
0x6a: {  	_ =	shalt  }
0x6b: {  	_ =	shalt  }
0x6c: {  	_ =	shalt  }
0x6d: {  	_ =	shalt  }
0x6e: {  	_ =	shalt  }
0x6f: {  	_ =	shalt  }
0x70: {  	_ =	shalt  }
0x71: {  	_ =	shalt  }
0x72: {  	_ =	shalt  }
0x73: {  	_ =	shalt  }
0x74: {  	_ =	shalt  }
0x75: {  	_ =	shalt  }
0x76: {  	_ =	shalt  }
0x77: {  	_ =	shalt  }
0x78: {  	_ =	shalt  }
0x79: {  	_ =	shalt  }
0x7a: {  	_ =	shalt  }
0x7b: {  	_ =	shalt  }
0x7c: {  	_ =	shalt  }
0x7d: {  	_ =	shalt  }
0x7e: {  	_ =	shalt  }
0x7f: {  	_ =	shalt  }
0x80: {  	_ =	shalt  }
0x81: {  	_ =	shalt  }
0x82: {  	_ =	shalt  }
0x83: {  	_ =	shalt  }
0x84: {  	_ =	shalt  }
0x85: {  	_ =	shalt  }
0x86: {  	_ =	shalt  }
0x87: {  	_ =	shalt  }
.Lfunc_end0:
.L_simem_size_0:
called_computation.5_lowered:
.L_overlay_start_0:
0x88: {  	s2 =	sld [smem:$0x3FD9]  }
0x89: {  	s3 =	sld [smem:$0x3FFE];
	_ =	sdelay $0x1  }
0x8a: {  	s1 =	srdreg.scid  }
0x8b: {  	s0 =	sand.u32 $0x1, s1  }
0x8c: {  	s16 =	sshll.u32 s0, $0xA;
	s2 =	sadd.s32 s3, s2  }
0x8d: {  	s2 =	sadd.s32 s2, s16  }
0x8e: {  	[smem:$0x3FC4] =	sst s2  }
0x8f: {  	_ = 	snop  }
0x90: {  	(tm) =	ssettm $0x1  }
0x91: {  	s17 =	sld [smem:$0x3FFB];
	_ =	sdelay $0x3  }
0x92: {  	_ =	strace s17  }
0x93: {  	s2 =	sld [smem:$0x3FFC];
	_ =	sdelay $0x3  }
0x94: {  	_ =	strace s2  }
0x95: {  	s2 =	sld [smem:$0x3FFD];
	_ =	sdelay $0x3  }
0x96: {  	_ =	strace s2  }
0x97: {  	_ =	strace $0x8FFFFFFF  }
0x98: {  	s18 =	sld [smem:$0x3FDB];
	_ =	sdelay $0x1  }
0x99: {  	s19 =	simm.s32 $_scs_section_size  }
0x9a: {  	s4 =	simm.s32 $_size__tile_overlayer_lowered;
	s5 =	simm.s32 $_tile_overlayer_lowered  }
0x9b: {  	s22 =	simm.s32 $0x1BFF;
	s21 =	sshll.u32 s5, $0x1;
	s2 =	sadd.s32 s19, s18  }
0x9c: {  	s6 =	simm.s32 $0x0;
	s20 =	sshll.u32 s4, $0x1;
	s4 =	sadd.s32 s21, s2  }
0x9d: {  	[timem:s6], [sflag:s22] =	dma.local [hbm:s4], s20  }
0x9e: {  	_ =	swait.ge [sflag:s22], s20  }
0x9f: {  	s3 =	ssub.s32 $0x0, s20;
	[sflag:s22] =	ssyncset.done $0x0  }
0xa0: {  	[sflag:s22] =	ssyncadd.s32 s3;
	_ =	sdelay $0x1  }
0xa1: {  	s23 =	simm.s32 $0x1B8B  }
0xa2: {  	_ =	swait.ge [sflag:s23], $0x1  }
0xa3: {  	[sflag:s23] =	ssyncset.done $0x0  }
0xa4: {  	s25 =	simm.s32 $0x1B8E;
	s24 =	sld [smem:$0x3FFE];
	[sflag:s23] =	ssyncadd.s32 $0xFFFFFFFF  }
0xa5: {  	s26 =	simm.s32 $execute0_lowered;
	[smem:$0x3FD2] =	sst s25  }
0xa6: {  	s4 =	sshll.u32 s26, $0x1;
	_ =	strace $0x80000049;
	[dreg:$0x1] =	wrdreg $0xFFFFFFFF  }
0xa7: {  	s28 =	simm.s32 $_size_execute0_lowered;
	s2 =	sadd.s32 s2, s4;
	[dreg:$0x0] =	wrdreg $0x0  }
0xa8: {  	s4 =	sshll.u32 s28, $0x1;
	[dreg:$0x2] =	wrdreg s2  }
0xa9: {  	[dreg:$0x3] =	wrdreg s4  }
0xaa: {  	[dreg:$0x4] =	wrdreg $0xC0  }
0xab: {  	_ =	task [dreg:s6], $0x5FFFF  }
0xac: {  	[dreg:$0x1] =	wrdreg $0xFFFFFFFF  }
0xad: {  	[dreg:$0x0] =	wrdreg $0x60  }
0xae: {  	[dreg:$0x2] =	wrdreg s24  }
0xaf: {  	[dreg:$0x3] =	wrdreg $0xA  }
0xb0: {  	_ =	task.clear_ibuf [dreg:s6], $0x4FFFF;
	_ =	strace $0x90000049  }
0xb1: {  	s29 =	simm.s32 $0xA;
	_ =	strace $0x8000004B  }
0xb2: {  	_ =	swait.ge [sflag:s29], $0x1  }
0xb3: {  	[sflag:s29] =	ssyncadd.s32 $0xFFFFFFFF  }
0xb4: {  	_ =	strace $0x9000004B  }
0xb5: {  	_ =	sfence  }
0xb6: {  	s30 =	sld [smem:$0x0];
	_ =	sdelay $0x2  }
0xb7: {  	s31 =	sshll.u32 s1, $0xD;
	s1 =	sshrl.u32 s1, $0x2  }
0xb8: {  	s3 =	sand.u32 $0x4000, s31;
	s1 =	sadd.s32 s1, s30  }
0xb9: {  	s0 =	sor.u32 s3, s0;
	s1 =	sshll.u32 s1, $0x11  }
0xba: {  	s0 =	sor.u32 s1, s0  }
0xbb: {  	s0 =	sadd.s32 $0x8F2B, s0  }
0xbc: {  	[sflag:s0] =	ssyncadd.remote.s32 $0x1  }
0xbd: {  	_ =	sfence.sel $0xFFFF  }
0xbe: {  	[dreg:$0x0] =	wrdreg $0xFFFFFFFF;
	(pc) =	sbr.abs _section_cstart, $3  }
0xbf: {  	[dreg:$0x1] =	wrdreg $0xFFFFFFFF  }
0xc0: {  	_ =	task.clear_ibuf [dreg:s6], $0x2FFFF;
	_ =	strace $0x9FFFFFFF  }
0xc1: {  	(tm) =	ssettm $0x7FFFFFFF  }
tec
execute0_lowered:
.L_overlay_start_1:
0x0: {  	(tag) =	ssettag $0x1  }
0x1: {  	s0 =	srdreg.scid;
	s5 =	rddreg [dreg:$0x0]  }
0x2: {  	s1 =	stileid.u32;
	s6 =	simm.s32 $0x1;
	s9 =	simm.s32 $0x1  }
0x3: {  	s10 =	simm.s32 $0x3;
	s13 =	simm.s32 $0x0;
	s2 =	sshll.u32 s0, $0x7  }
0x4: {  	s12 =	simm.s32 $0x0;
	s3 =	sshll.u32 s1, $0x8;
	s2 =	sand.u32 $0x80, s2  }
0x5: {  	s0 =	rddreg [dreg:$0x1];
	_ =	strace $0x8000004A;
	s2 =	sor.u32 s3, s2  }
0x6: {  	s4 =	sadd.s32 $0x2000, s5;
	[sflag:s6] =	ssyncpa.u1 $0x0;
	s8 =	ssub.s32 $0x2000, s2  }
.Ltmp0:
0x7: {  	s3 =	sadd.s32 $0x800, s5;
	s7 =	sand.u32 $0xF80, s8;
	(pc) =	sbr.rel .LBB2_1-.Ltmp0, $4  }
0x8: {  	s5 =	sadd.s32 $0x400, s5;
	s11 =	smov.u32 s2;
	p0 =	sne.s32 s7, $0x0  }
0x9: {  	s8 =	sshrl.u32 s8, $0xC;
	s7 =	simm.s32 $0x2;
	s9 =	simm.s32 @!p0 $0x0  }
0xa: {  	[sflag:s7] =	ssyncpa.u1 $0x0;
	p0 =	por $0x0, $0x0;
	s8 =	sadd.s32 s9, s8  }
0xb: {  	vm0 =	vmmov $0xffff;
	[sflag:s10] =	ssyncpa.u1 $0x0;
	s10 =	simm.s32 $0x0;
	s9 =	sadd.s32 $0x1, s8  }
.LBB2_4:
0xc: {  	v2 =	vnsel vm1, $0x0, v2  }
0xd: {  	vm1 =	vgt.s32 v0, $0x0;
	v2 =	vmin.u32 v2, $0x1FFF  }
0xe: {  	v0 =	vnsel vm1, $0x0, v0  }
0xf: {  	v0 =	vmin.u32 v0, $0x1FFF  }
0x10: {  	[tilespmem:s15], [sflag:$0x1] =	stream.indirect_vreg.gather [hbm4b:s3+s10], $0x1, v1, vm0, $0x4038;
	[tilespmem:$0x200] =	vst v63  }
0x11: {  	(ifvalue) =	ssetifvalue $0x7FFFFFFF  }
0x12: {  	[tilespmem:s16], [sflag:$0x1] =	stream.indirect_vreg.gather [hbm4b:s3+s10], $0x1, v2, vm0, $0x4038;
	[tilespmem:$0x200] =	vst v63  }
0x13: {  	s29 =	sadd.s32 $0x10, s16;
	(ifvalue) =	ssetifvalue $0x7FFFFFFF  }
0x14: {  	[tilespmem:s29], [sflag:$0x1] =	stream.indirect_vreg.gather [hbm4b:s3+s10], $0x1, v0, vm0, $0x4038;
	[tilespmem:$0x200] =	vst v63  }
0x15: {  	_ =	swait.ge [sflag:s6], $0x80  }
0x16: {  	s30 =	sshrl.u32 s13, $0x3;
	[sflag:s6] =	ssyncset.done $0x0  }
0x17: {  	s31 =	sand.u32 $0x7, s13;
	s15 =	sadd.s32 s5, s30;
	[sflag:s6] =	ssyncadd.s32 $0xFFFFFF80  }
0x18: {  	[hbm4b:s15+s31] =	stream.linear.scatter [tilespmem:s14], [sflag:$0x3], $0x80, $0x38;
	[tilespmem:$0x200] =	vst v63  }
.LBB2_5:
0x19: {  	s15 =	sadd.s32 $0x1000, s11  }
0x1a: {  	p2 =	sgt.s32 s15, $0x1FFF  }
0x1b: {  	s15 =	smov.u32 @p2 s2;
	p2 =	sne.s32 s12, s9  }
.Ltmp1:
0x1c: {  	p1 =	slt.u32 s12, $0x2;
	(pc) =	sbr.rel @!p2 .LBB2_6-.Ltmp1, $4  }
0x1d: {  	s14 =	simm.s32 @!p1 $0x3  }
0x1e: {  	s16 =	sadd.s32 $0x1, s12;
	_ =	swait.ge @!p1 [sflag:s14], $0x80  }
0x1f: {  	s13 =	smov.u32 s11;
	p0 =	por !p0, !p0;
	[sflag:s14] =	ssyncset.done @!p1 $0x0  }
0x20: {  	s12 =	smov.u32 s16;
	s11 =	smov.u32 s15;
	[sflag:s14] =	ssyncadd.s32 @!p1 $0xFFFFFF80  }
.LBB2_1:
0x21: {  	p1 =	sge.u32 s12, s8  }
0x22: {  	s14 =	sxor.u32 @!p1 $0xFFFFFFFF, s12  }
0x23: {  	s31 =	sadd.s32 $0xFFFFFFFF, s12;
	s15 =	sshrl.u32 @!p1 s11, $0x3;
	s14 =	sshll.u32 @!p1 s14, $0x7  }
0x24: {  	s16 =	sand.u32 @!p1 $0x7, s11;
	s15 =	sadd.s32 @!p1 s4, s15;
	s14 =	sand.u32 @!p1 $0x80, s14  }
0x25: {  	[tilespmem:s14], [sflag:$0x2] =	stream.linear.gather @!p1 [hbm4b:s15+s16], $0x80, $0x38;
	[tilespmem:$0x200] =	vst v63  }
0x26: {  	p1 =	sge.u32 s31, s8  }
.Ltmp2:
0x27: {  	_ = 	snop;
	(pc) =	sbr.rel @p1 .LBB2_5-.Ltmp2, $1  }
0x28: {  	_ =	sdelay $0x3  }
0x29: {  	s14 =	simm.s32 $0x1  }
0x2a: {  	_ =	swait.ge [sflag:s7], $0x80;
	s14 =	simm.s32 @!p0 $0x0  }
0x2b: {  	[sflag:s7] =	ssyncset.done $0x0;
	s14 =	sshll.u32 s14, $0x7  }
0x2c: {  	[sflag:s7] =	ssyncadd.s32 $0xFFFFFF80;
	(ifvalue) =	ssetifvalue $0x7FFFFFFF;
	v0 =	vld.msk [tilespmem:s14+$0x0 ss:$0x1], $0xffff;
	_ =	sdelay $0x4  }
0x2d: {  	s15 =	sadd.s32 $0x10, s14;
	vm1 =	vgt.s32 v0, $0x0  }
0x2e: {  	v2 =	vld.msk [tilespmem:s15+$0x0 ss:$0x1], $0xffff;
	v1 =	vnsel vm1, $0x0, v0  }
0x2f: {  	v1 =	vmin.u32 v1, $0x1FFF;
	_ =	sdelay $0x1  }
0x30: {  	s16 =	sshll.u32 s12, $0x7;
	s18 =	simm.s32 $0x20  }
0x31: {  	s16 =	sand.u32 $0x80, s16;
	s17 =	sadd.s32 $0x10, s15;
	s15 =	sor.u32 $0x100, s14  }
0x32: {  	s14 =	sor.u32 $0x100, s16;
	s16 =	sadd.s32 $0x10, s15;
	v0 =	vld.msk [tilespmem:s17+$0x0 ss:$0x1], $0xffff;
	vm1 =	vgt.s32 v2, $0x0;
	(ifvalue) =	ssetifvalue $0x7FFFFFFF  }
.LBB2_3:
0x33: {  	[tilespmem:s15], [sflag:$0x1] =	stream.indirect_vreg.gather [hbm4b:s3+s10], $0x1, v1, vm0, $0x4038;
	[tilespmem:$0x200] =	vst v63  }
0x34: {  	s18 =	sadd.s32 $0x10, s18  }
0x35: {  	v2 =	vnsel vm1, $0x0, v2;
	p1 =	slt.u32 s18, $0x70  }
.Ltmp3:
0x36: {  	s15 =	smov.u32 s16;
	v1 =	vmin.u32 v2, $0x1FFF;
	(pc) =	sbr.rel @p1 .LBB2_3-.Ltmp3, $3  }
0x37: {  	_ =	sdelay $0x1  }
0x38: {  	s17 =	sadd.s32 $0x10, s17  }
0x39: {  	vm1 =	vgt.s32 v0, $0x0;
	s16 =	sadd.s32 $0x10, s16;
	v2 =	vmov v0;
	(ifvalue) =	ssetifvalue $0x7FFFFFFF;
	v0 =	vld.msk [tilespmem:s17+$0x0 ss:$0x1], $0xffff  }
.Ltmp4:
0x3a: {  	_ = 	snop;
	(pc) =	sbr.rel .LBB2_4-.Ltmp4, $1  }
0x3b: {  	_ =	sdelay $0x3  }
.LBB2_6:
0x3c: {  	_ =	sfence.sel $0x180000  }
0x3d: {  	s2 =	simm.s32 $0x2;
	[bflag:$0x0] =	sbarrier.arrive $0xFFFF  }
0x3e: {  	s30 =	simm.s32 $0x3;
	[sflag:s2] =	ssyncpa.u1 $0x1  }
0x3f: {  	s31 =	simm.s32 $0x1;
	[sflag:s30] =	ssyncpa.u1 $0x1  }
0x40: {  	[sflag:s31] =	ssyncpa.u1 $0x1  }
0x41: {  	p0 =	sne.s32 s1, $0x0;
	_ =	strace $0x9000004A  }
0x42: {  	s0 =	sadd.s32 @!p0 $0x100000, s0;
	[bflag:$0x2] =	sbarrier.arrive $0xFFFF  }
0x43: {  	[sflag:s0] =	ssyncadd.tile.s32 @!p0 $0x1;
	_ =	shalt  }
.Lfunc_end2:
_tile_overlayer_lowered:
.L_overlay_start_2:
0x44: {  	(tag) =	ssettag $0x2  }
0x45: {  	s0 =	rddreg [dreg:$0x0];
	s2 =	stileid.u32  }
0x46: {  	s1 =	rddreg [dreg:$0x1];
	p0 =	sne.s32 s2, $0x0  }
0x47: {  	s3 =	rddreg [dreg:$0x2];
	[bflag:$0x3] =	sbarrier.arrive $0xFFFF;
	s2 =	simm.s32 @!p0 $0x1C01  }
0x48: {  	[timem:s3], [sflag:s2] =	dma.local @!p0 [hbm:s0], s1  }
0x49: {  	s0 =	simm.s32 @!p0 $0x1  }
0x4a: {  	_ =	swait.ge @!p0 [sflag:s0], s1  }
0x4b: {  	s1 =	ssub.s32 @!p0 $0x0, s1;
	[sflag:s0] =	ssyncset.done @!p0 $0x0  }
0x4c: {  	[sflag:s0] =	ssyncadd.s32 @!p0 s1  }
0x4d: {  	[bflag:$0x3] =	sbarrier.arrive $0xFFFF  }
0x4e: {  	_ =	shalt  }

// kernel: gather_offload_async_start.6
scs
__scs_entry_jumppad:
0x0: {  	(pc) =	sbr.rel $0x88, $3  }
0x1: {  	(tag) =	ssettag $0x0;
	lr =	simm.s32 $0x1  }
0x2: {  	[smem:$0x3F9D] =	sst lr;
	_ =	strace $0xD0000000  }
0x3: {  	_ = 	snop  }
0x4: {  	_ = 	snop  }
0x5: {  	_ = 	snop  }
0x6: {  	_ = 	snop  }
0x7: {  	_ = 	snop  }
__scs_overlays_trampoline_lowered:
0x8: {  	[smem:$0x3FAC] =	sst s0  }
0x9: {  	[smem:$0x3FAD] =	sst s1  }
0xa: {  	[smem:$0x3FAE] =	sst s2  }
0xb: {  	[smem:$0x3FAF] =	sst s3  }
0xc: {  	[smem:$0x3FB0] =	sst s4  }
0xd: {  	[smem:$0x3FB1] =	sst s5  }
0xe: {  	[smem:$0x3FB2] =	sst s6  }
0xf: {  	[smem:$0x3FB3] =	sst s7  }
0x10: {  	[smem:$0x3FB4] =	sst s8  }
0x11: {  	[smem:$0x3FB5] =	sst s9;
	s0 =	simm.s32 @!p0 $0x0  }
0x12: {  	s1 =	sld [smem:$0x3F9B];
	s0 =	simm.s32 @p0 $0x1  }
0x13: {  	[smem:$0x3FB6] =	sst s0;
	s0 =	simm.s32 @!p1 $0x0  }
0x14: {  	s2 =	sld [smem:$0x3F9A];
	s0 =	simm.s32 @p1 $0x1  }
0x15: {  	[smem:$0x3FB7] =	sst s0;
	s0 =	simm.s32 @!p2 $0x0  }
0x16: {  	s3 =	sld [smem:$0x3FDB];
	s0 =	simm.s32 @p2 $0x1  }
0x17: {  	s4 =	simm.s32 $0x1BF5;
	[smem:$0x3FB9] =	sst s0  }
0x18: {  	s0 =	sld [smem:$0x3F9C];
	_ =	swait.ge [sflag:s4], $0x0  }
0x19: {  	s7 =	sld [smem:$0x3F9D]  }
0x1a: {  	s8 =	sadd.s32 $0xFFFFE003, lr  }
0x1b: {  	s9 =	sadd.s32 $0xFFFFFEF7, lr;
	s5 =	simm.s32 $0xFFFFFFFF;
	p2 =	slt.u32 s8, $0xFFFFF086  }
0x1c: {  	p1 =	slt.u32 s9, $0xF7A;
	s5 =	simm.s32 @!p2 $0x0  }
0x1d: {  	s5 =	simm.s32 @p1 $0x1;
	p0 =	seq.s32 s7, s2  }
0x1e: {  	s7 =	smul.u32 @!p0 $0xF7A, s2;
	p2 =	seq.s32 @!p0 s5, $0x0  }
0x1f: {  	s9 =	smul.u32 $0xF7A, s1;
	s8 =	simm.s32 @!p0 $0x1BF5;
	p2 =	por !p2, p0  }
0x20: {  	[sflag:s8] =	ssyncset.s32 @!p0 $0xFFFFF086;
	s6 =	sadd.s32 @!p0 s3, s7;
	s7 =	simm.s32 @!p0 $0x108  }
0x21: {  	s3 =	sadd.s32 s3, s9;
	s6 =	sadd.s32 @!p0 $0x88, s6;
	s7 =	simm.s32 @p2 $0x1082  }
0x22: {  	[simem:s7], [sflag:s8] =	dma.local @!p0 [hbm:s6], $0xF7A  }
0x23: {  	s9 =	sor.u32 $0xD0000000, s2;
	s6 =	simm.s32 $0x108;
	_ =	swait.ge @!p0 [sflag:s8], $0x0  }
0x24: {  	s3 =	sadd.s32 $0x88, s3;
	s6 =	simm.s32 @!p1 $0x1082;
	[sflag:s4] =	ssyncset.s32 $0xFFFFF086  }
0x25: {  	[simem:s6], [sflag:s4] =	dma.local [hbm:s3], $0xF7A  }
0x26: {  	[smem:$0x3F9D] =	sst s1;
	(tag) =	ssettag s2;
	_ =	strace s9  }
0x27: {  	s1 =	sld [smem:$0x3FAD]  }
0x28: {  	s2 =	sld [smem:$0x3FAE]  }
0x29: {  	s4 =	sld [smem:$0x3FB0]  }
0x2a: {  	p0 =	seq.s32 s5, $0x0;
	s5 =	sld [smem:$0x3FB1]  }
0x2b: {  	s6 =	sld [smem:$0x3FB2]  }
0x2c: {  	s7 =	sld [smem:$0x3FB3]  }
0x2d: {  	s3 =	simm.s32 $0x108;
	s8 =	sld [smem:$0x3FB4]  }
0x2e: {  	s3 =	simm.s32 @!p0 $0x1082;
	s9 =	sld [smem:$0x3FB5]  }
0x2f: {  	lr =	sadd.s32 s0, s3;
	s0 =	sld [smem:$0x3FAC]  }
0x30: {  	s3 =	sld [smem:$0x3FAF]  }
0x31: {  	[smem:$0x3FB8] =	sst s10  }
0x32: {  	s10 =	sld [smem:$0x3FB6];
	_ =	sdelay $0x3  }
0x33: {  	p0 =	seq.s32 s10, $0x1;
	s10 =	sld [smem:$0x3FB8];
	_ =	sdelay $0x3  }
0x34: {  	[smem:$0x3FB8] =	sst s10  }
0x35: {  	s10 =	sld [smem:$0x3FB7];
	_ =	sdelay $0x3  }
0x36: {  	p1 =	seq.s32 s10, $0x1;
	s10 =	sld [smem:$0x3FB8];
	_ =	sdelay $0x3  }
0x37: {  	[smem:$0x3FB8] =	sst s10  }
0x38: {  	s10 =	sld [smem:$0x3FB9]  }
0x39: {  	_ = 	snop;
	(pc) =	sbr.ind lr, $3  }
0x3a: {  	_ = 	snop  }
0x3b: {  	_ = 	snop  }
0x3c: {  	p2 =	seq.s32 s10, $0x1;
	s10 =	sld [smem:$0x3FB8]  }
0x3d: {  	_ =	shalt  }
0x3e: {  	_ =	shalt  }
0x3f: {  	_ =	shalt  }
0x40: {  	_ =	shalt  }
0x41: {  	_ =	shalt  }
0x42: {  	_ =	shalt  }
0x43: {  	_ =	shalt  }
0x44: {  	_ =	shalt  }
0x45: {  	_ =	shalt  }
0x46: {  	_ =	shalt  }
0x47: {  	_ =	shalt  }
0x48: {  	_ =	shalt  }
0x49: {  	_ =	shalt  }
0x4a: {  	_ =	shalt  }
0x4b: {  	_ =	shalt  }
0x4c: {  	_ =	shalt  }
0x4d: {  	_ =	shalt  }
0x4e: {  	_ =	shalt  }
0x4f: {  	_ =	shalt  }
0x50: {  	_ =	shalt  }
0x51: {  	_ =	shalt  }
0x52: {  	_ =	shalt  }
0x53: {  	_ =	shalt  }
0x54: {  	_ =	shalt  }
0x55: {  	_ =	shalt  }
0x56: {  	_ =	shalt  }
0x57: {  	_ =	shalt  }
0x58: {  	_ =	shalt  }
0x59: {  	_ =	shalt  }
0x5a: {  	_ =	shalt  }
0x5b: {  	_ =	shalt  }
0x5c: {  	_ =	shalt  }
0x5d: {  	_ =	shalt  }
0x5e: {  	_ =	shalt  }
0x5f: {  	_ =	shalt  }
0x60: {  	_ =	shalt  }
0x61: {  	_ =	shalt  }
0x62: {  	_ =	shalt  }
0x63: {  	_ =	shalt  }
0x64: {  	_ =	shalt  }
0x65: {  	_ =	shalt  }
0x66: {  	_ =	shalt  }
0x67: {  	_ =	shalt  }
0x68: {  	_ =	shalt  }
0x69: {  	_ =	shalt  }
0x6a: {  	_ =	shalt  }
0x6b: {  	_ =	shalt  }
0x6c: {  	_ =	shalt  }
0x6d: {  	_ =	shalt  }
0x6e: {  	_ =	shalt  }
0x6f: {  	_ =	shalt  }
0x70: {  	_ =	shalt  }
0x71: {  	_ =	shalt  }
0x72: {  	_ =	shalt  }
0x73: {  	_ =	shalt  }
0x74: {  	_ =	shalt  }
0x75: {  	_ =	shalt  }
0x76: {  	_ =	shalt  }
0x77: {  	_ =	shalt  }
0x78: {  	_ =	shalt  }
0x79: {  	_ =	shalt  }
0x7a: {  	_ =	shalt  }
0x7b: {  	_ =	shalt  }
0x7c: {  	_ =	shalt  }
0x7d: {  	_ =	shalt  }
0x7e: {  	_ =	shalt  }
0x7f: {  	_ =	shalt  }
0x80: {  	_ =	shalt  }
0x81: {  	_ =	shalt  }
0x82: {  	_ =	shalt  }
0x83: {  	_ =	shalt  }
0x84: {  	_ =	shalt  }
0x85: {  	_ =	shalt  }
0x86: {  	_ =	shalt  }
0x87: {  	_ =	shalt  }
.Lfunc_end0:
.L_simem_size_0:
called_computation.6_lowered:
.L_overlay_start_0:
0x88: {  	s2 =	sld [smem:$0x3FD9]  }
0x89: {  	s3 =	sld [smem:$0x3FFE];
	_ =	sdelay $0x1  }
0x8a: {  	s1 =	srdreg.scid  }
0x8b: {  	s0 =	sand.u32 $0x1, s1  }
0x8c: {  	s17 =	sshll.u32 s0, $0xA;
	s2 =	sadd.s32 s3, s2  }
0x8d: {  	s2 =	sadd.s32 s2, s17  }
0x8e: {  	[smem:$0x3FC4] =	sst s2  }
0x8f: {  	_ = 	snop  }
0x90: {  	(tm) =	ssettm $0x1  }
0x91: {  	s18 =	sld [smem:$0x3FFB];
	_ =	sdelay $0x3  }
0x92: {  	_ =	strace s18  }
0x93: {  	s2 =	sld [smem:$0x3FFC];
	_ =	sdelay $0x3  }
0x94: {  	_ =	strace s2  }
0x95: {  	s2 =	sld [smem:$0x3FFD];
	_ =	sdelay $0x3  }
0x96: {  	_ =	strace s2  }
0x97: {  	_ =	strace $0x8FFFFFFF  }
0x98: {  	s19 =	sld [smem:$0x3FDB];
	_ =	sdelay $0x1  }
0x99: {  	s20 =	simm.s32 $_scs_section_size  }
0x9a: {  	s4 =	simm.s32 $_size__tile_overlayer_lowered;
	s5 =	simm.s32 $_tile_overlayer_lowered  }
0x9b: {  	s6 =	simm.s32 $0x1BFF;
	s21 =	sshll.u32 s5, $0x1;
	s3 =	sadd.s32 s20, s19  }
0x9c: {  	s22 =	simm.s32 $0x0;
	s4 =	sshll.u32 s4, $0x1;
	s5 =	sadd.s32 s21, s3  }
0x9d: {  	[timem:s22], [sflag:s6] =	dma.local [hbm:s5], s4  }
0x9e: {  	_ =	swait.ge [sflag:s6], s4  }
0x9f: {  	s4 =	ssub.s32 $0x0, s4;
	[sflag:s6] =	ssyncset.done $0x0  }
0xa0: {  	[sflag:s6] =	ssyncadd.s32 s4;
	_ =	sdelay $0x1  }
0xa1: {  	s23 =	simm.s32 $0x1B8B  }
0xa2: {  	_ =	swait.ge [sflag:s23], $0x1  }
0xa3: {  	[sflag:s23] =	ssyncset.done $0x0  }
0xa4: {  	[sflag:s23] =	ssyncadd.s32 $0xFFFFFFFF  }
0xa5: {  	s4 =	sld [smem:$0x0]  }
0xa6: {  	s5 =	sand.u32 $0xFFFFFFFE, s1  }
0xa7: {  	p0 =	sne.s32 s1, s5  }
0xa8: {  	s5 =	sshll.u32 @p0 s5, $0xE  }
0xa9: {  	s5 =	sadd.s32 @p0 $0x11B8D, s5;
	s6 =	sshll.u32 @p0 s4, $0x11  }
0xaa: {  	s5 =	sor.u32 @p0 s6, s5  }
0xab: {  	[sflag:s5] =	ssyncadd.remote.s32 @p0 $0x1;
	_ =	sdelay $0x1  }
0xac: {  	s5 =	simm.s32 @p0 $0x1B8D  }
0xad: {  	_ =	swait.eq @p0 [sflag:s5], $0x1  }
0xae: {  	[sflag:s5] =	ssyncadd.s32 @p0 $0xFFFFFFFF  }
0xaf: {  	s6 =	sshll.u32 @!p0 s1, $0xE  }
0xb0: {  	s6 =	sor.u32 @!p0 $0x4000, s6;
	s5 =	simm.s32 @!p0 $0x1B8D  }
0xb1: {  	s4 =	sshll.u32 @!p0 s4, $0x11;
	s6 =	sadd.s32 @!p0 $0x11B8D, s6;
	_ =	swait.eq @!p0 [sflag:s5], $0x1  }
0xb2: {  	s4 =	sor.u32 @!p0 s4, s6;
	[sflag:s5] =	ssyncadd.s32 @!p0 $0xFFFFFFFF  }
0xb3: {  	s25 =	simm.s32 $0x1B8E;
	s24 =	sld [smem:$0x3FFE];
	[sflag:s4] =	ssyncadd.remote.s32 @!p0 $0x1  }
0xb4: {  	s26 =	simm.s32 $execute0_lowered;
	[smem:$0x3FD2] =	sst s25  }
0xb5: {  	s5 =	sshll.u32 s26, $0x1;
	_ =	strace $0x80000052;
	[dreg:$0x1] =	wrdreg $0xFFFFFFFF  }
0xb6: {  	s28 =	simm.s32 $_size_execute0_lowered;
	s3 =	sadd.s32 s3, s5;
	[dreg:$0x0] =	wrdreg $0x0  }
0xb7: {  	s5 =	sshll.u32 s28, $0x1;
	[dreg:$0x2] =	wrdreg s3  }
0xb8: {  	[dreg:$0x3] =	wrdreg s5  }
0xb9: {  	[dreg:$0x4] =	wrdreg $0xC0  }
0xba: {  	_ =	task [dreg:s22], $0x5FFFF  }
0xbb: {  	[dreg:$0x1] =	wrdreg $0xFFFFFFFF  }
0xbc: {  	[dreg:$0x0] =	wrdreg $0x60  }
0xbd: {  	[dreg:$0x2] =	wrdreg s24  }
0xbe: {  	[dreg:$0x3] =	wrdreg $0xD  }
0xbf: {  	_ =	task.clear_ibuf [dreg:s22], $0x4FFFF;
	_ =	strace $0x90000052  }
0xc0: {  	s29 =	simm.s32 $0xD;
	_ =	strace $0x80000054  }
0xc1: {  	_ =	swait.ge [sflag:s29], $0x1  }
0xc2: {  	[sflag:s29] =	ssyncadd.s32 $0xFFFFFFFF  }
0xc3: {  	_ =	strace $0x90000054  }
0xc4: {  	_ =	sfence  }
0xc5: {  	s30 =	sld [smem:$0x0];
	_ =	sdelay $0x2  }
0xc6: {  	s31 =	sshll.u32 s1, $0xD;
	s1 =	sshrl.u32 s1, $0x2  }
0xc7: {  	s4 =	sand.u32 $0x4000, s31;
	s1 =	sadd.s32 s1, s30  }
0xc8: {  	s0 =	sor.u32 s4, s0;
	s1 =	sshll.u32 s1, $0x11  }
0xc9: {  	s0 =	sor.u32 s1, s0  }
0xca: {  	s0 =	sadd.s32 $0x8F2B, s0  }
0xcb: {  	[sflag:s0] =	ssyncadd.remote.s32 $0x1  }
0xcc: {  	_ =	sfence.sel $0xFFFF  }
0xcd: {  	[dreg:$0x0] =	wrdreg $0xFFFFFFFF;
	(pc) =	sbr.abs _section_cstart, $3  }
0xce: {  	[dreg:$0x1] =	wrdreg $0xFFFFFFFF  }
0xcf: {  	_ =	task.clear_ibuf [dreg:s22], $0x2FFFF;
	_ =	strace $0x9FFFFFFF  }
0xd0: {  	(tm) =	ssettm $0x7FFFFFFF  }
0xd1: {  	_ =	shalt  }
tec
execute0_lowered:
.L_overlay_start_1:
0x0: {  	(tag) =	ssettag $0x1  }
0x1: {  	s1 =	srdreg.scid  }
0x2: {  	s0 =	stileid.u32;
	s2 =	rddreg [dreg:$0x0];
	s6 =	simm.s32 $0x1  }
0x3: {  	s9 =	simm.s32 $0x1;
	s10 =	simm.s32 $0x3;
	s1 =	sshll.u32 s1, $0x7  }
0x4: {  	s13 =	simm.s32 $0x0;
	s3 =	sshll.u32 s0, $0x8;
	s4 =	sand.u32 $0x80, s1  }
0x5: {  	s12 =	simm.s32 $0x0;
	s5 =	sadd.s32 $0x1400, s2;
	s3 =	sor.u32 s3, s4  }
0x6: {  	s1 =	rddreg [dreg:$0x1];
	_ =	strace $0x80000053;
	s8 =	ssub.s32 $0x2000, s3  }
.Ltmp0:
0x7: {  	s4 =	sadd.s32 $0x2000, s2;
	s7 =	sand.u32 $0xF80, s8;
	(pc) =	sbr.rel .LBB2_1-.Ltmp0, $4  }
0x8: {  	[sflag:s6] =	ssyncpa.u1 $0x0;
	s11 =	smov.u32 s3;
	p0 =	sne.s32 s7, $0x0  }
0x9: {  	s8 =	sshrl.u32 s8, $0xC;
	s7 =	simm.s32 $0x2;
	s9 =	simm.s32 @!p0 $0x0  }
0xa: {  	[sflag:s7] =	ssyncpa.u1 $0x0;
	p0 =	por $0x0, $0x0;
	s8 =	sadd.s32 s9, s8  }
0xb: {  	vm0 =	vmmov $0xffff;
	[sflag:s10] =	ssyncpa.u1 $0x0;
	s10 =	simm.s32 $0x0;
	s9 =	sadd.s32 $0x1, s8  }
.LBB2_4:
0xc: {  	v2 =	vnsel vm1, $0x0, v2  }
0xd: {  	vm1 =	vgt.s32 v0, $0x0;
	v2 =	vmin.u32 v2, $0x1FFF  }
0xe: {  	v0 =	vnsel vm1, $0x0, v0  }
0xf: {  	v0 =	vmin.u32 v0, $0x1FFF  }
0x10: {  	[tilespmem:s15], [sflag:$0x1] =	stream.indirect_vreg.gather [hbm4b:s2+s10], $0x1, v1, vm0, $0x4038;
	[tilespmem:$0x200] =	vst v63  }
0x11: {  	(ifvalue) =	ssetifvalue $0x7FFFFFFF  }
0x12: {  	[tilespmem:s16], [sflag:$0x1] =	stream.indirect_vreg.gather [hbm4b:s2+s10], $0x1, v2, vm0, $0x4038;
	[tilespmem:$0x200] =	vst v63  }
0x13: {  	s29 =	sadd.s32 $0x10, s16;
	(ifvalue) =	ssetifvalue $0x7FFFFFFF  }
0x14: {  	[tilespmem:s29], [sflag:$0x1] =	stream.indirect_vreg.gather [hbm4b:s2+s10], $0x1, v0, vm0, $0x4038;
	[tilespmem:$0x200] =	vst v63  }
0x15: {  	_ =	swait.ge [sflag:s6], $0x80  }
0x16: {  	s30 =	sshrl.u32 s13, $0x3;
	[sflag:s6] =	ssyncset.done $0x0  }
0x17: {  	s31 =	sand.u32 $0x7, s13;
	s15 =	sadd.s32 s5, s30;
	[sflag:s6] =	ssyncadd.s32 $0xFFFFFF80  }
0x18: {  	[hbm4b:s15+s31] =	stream.linear.scatter [tilespmem:s14], [sflag:$0x3], $0x80, $0x38;
	[tilespmem:$0x200] =	vst v63  }
.LBB2_5:
0x19: {  	s15 =	sadd.s32 $0x1000, s11  }
0x1a: {  	p2 =	sgt.s32 s15, $0x1FFF  }
0x1b: {  	s15 =	smov.u32 @p2 s3;
	p2 =	sne.s32 s12, s9  }
.Ltmp1:
0x1c: {  	p1 =	slt.u32 s12, $0x2;
	(pc) =	sbr.rel @!p2 .LBB2_6-.Ltmp1, $4  }
0x1d: {  	s14 =	simm.s32 @!p1 $0x3  }
0x1e: {  	s16 =	sadd.s32 $0x1, s12;
	_ =	swait.ge @!p1 [sflag:s14], $0x80  }
0x1f: {  	s13 =	smov.u32 s11;
	p0 =	por !p0, !p0;
	[sflag:s14] =	ssyncset.done @!p1 $0x0  }
0x20: {  	s12 =	smov.u32 s16;
	s11 =	smov.u32 s15;
	[sflag:s14] =	ssyncadd.s32 @!p1 $0xFFFFFF80  }
.LBB2_1:
0x21: {  	p1 =	sge.u32 s12, s8  }
0x22: {  	s14 =	sxor.u32 @!p1 $0xFFFFFFFF, s12  }
0x23: {  	s31 =	sadd.s32 $0xFFFFFFFF, s12;
	s15 =	sshrl.u32 @!p1 s11, $0x3;
	s14 =	sshll.u32 @!p1 s14, $0x7  }
0x24: {  	s16 =	sand.u32 @!p1 $0x7, s11;
	s15 =	sadd.s32 @!p1 s4, s15;
	s14 =	sand.u32 @!p1 $0x80, s14  }
0x25: {  	[tilespmem:s14], [sflag:$0x2] =	stream.linear.gather @!p1 [hbm4b:s15+s16], $0x80, $0x38;
	[tilespmem:$0x200] =	vst v63  }
0x26: {  	p1 =	sge.u32 s31, s8  }
.Ltmp2:
0x27: {  	_ = 	snop;
	(pc) =	sbr.rel @p1 .LBB2_5-.Ltmp2, $1  }
0x28: {  	_ =	sdelay $0x3  }
0x29: {  	s14 =	simm.s32 $0x1  }
0x2a: {  	_ =	swait.ge [sflag:s7], $0x80;
	s14 =	simm.s32 @!p0 $0x0  }
0x2b: {  	[sflag:s7] =	ssyncset.done $0x0;
	s14 =	sshll.u32 s14, $0x7  }
0x2c: {  	[sflag:s7] =	ssyncadd.s32 $0xFFFFFF80;
	(ifvalue) =	ssetifvalue $0x7FFFFFFF;
	v0 =	vld.msk [tilespmem:s14+$0x0 ss:$0x1], $0xffff;
	_ =	sdelay $0x4  }
0x2d: {  	s15 =	sadd.s32 $0x10, s14;
	vm1 =	vgt.s32 v0, $0x0  }
0x2e: {  	v2 =	vld.msk [tilespmem:s15+$0x0 ss:$0x1], $0xffff;
	v1 =	vnsel vm1, $0x0, v0  }
0x2f: {  	v1 =	vmin.u32 v1, $0x1FFF;
	_ =	sdelay $0x1  }
0x30: {  	s16 =	sshll.u32 s12, $0x7;
	s18 =	simm.s32 $0x20  }
0x31: {  	s16 =	sand.u32 $0x80, s16;
	s17 =	sadd.s32 $0x10, s15;
	s15 =	sor.u32 $0x100, s14  }
0x32: {  	s14 =	sor.u32 $0x100, s16;
	s16 =	sadd.s32 $0x10, s15;
	v0 =	vld.msk [tilespmem:s17+$0x0 ss:$0x1], $0xffff;
	vm1 =	vgt.s32 v2, $0x0;
	(ifvalue) =	ssetifvalue $0x7FFFFFFF  }
.LBB2_3:
0x33: {  	[tilespmem:s15], [sflag:$0x1] =	stream.indirect_vreg.gather [hbm4b:s2+s10], $0x1, v1, vm0, $0x4038;
	[tilespmem:$0x200] =	vst v63  }
0x34: {  	s18 =	sadd.s32 $0x10, s18  }
0x35: {  	v2 =	vnsel vm1, $0x0, v2;
	p1 =	slt.u32 s18, $0x70  }
.Ltmp3:
0x36: {  	s15 =	smov.u32 s16;
	v1 =	vmin.u32 v2, $0x1FFF;
	(pc) =	sbr.rel @p1 .LBB2_3-.Ltmp3, $3  }
0x37: {  	_ =	sdelay $0x1  }
0x38: {  	s17 =	sadd.s32 $0x10, s17  }
0x39: {  	vm1 =	vgt.s32 v0, $0x0;
	s16 =	sadd.s32 $0x10, s16;
	v2 =	vmov v0;
	(ifvalue) =	ssetifvalue $0x7FFFFFFF;
	v0 =	vld.msk [tilespmem:s17+$0x0 ss:$0x1], $0xffff  }
.Ltmp4:
0x3a: {  	_ = 	snop;
	(pc) =	sbr.rel .LBB2_4-.Ltmp4, $1  }
0x3b: {  	_ =	sdelay $0x3  }
.LBB2_6:
0x3c: {  	_ =	sfence.sel $0x180000  }
0x3d: {  	s2 =	simm.s32 $0x2;
	[bflag:$0x0] =	sbarrier.arrive $0xFFFF  }
0x3e: {  	s30 =	simm.s32 $0x3;
	[sflag:s2] =	ssyncpa.u1 $0x1  }
0x3f: {  	s31 =	simm.s32 $0x1;
	[sflag:s30] =	ssyncpa.u1 $0x1  }
0x40: {  	[sflag:s31] =	ssyncpa.u1 $0x1  }
0x41: {  	p0 =	sne.s32 s0, $0x0;
	_ =	strace $0x90000053  }
0x42: {  	s0 =	sadd.s32 @!p0 $0x100000, s1;
	[bflag:$0x2] =	sbarrier.arrive $0xFFFF  }
0x43: {  	[sflag:s0] =	ssyncadd.tile.s32 @!p0 $0x1;
	_ =	shalt  }
.Lfunc_end2:
_tile_overlayer_lowered:
.L_overlay_start_2:
0x44: {  	(tag) =	ssettag $0x2  }
0x45: {  	s0 =	rddreg [dreg:$0x0];
	s2 =	stileid.u32  }
0x46: {  	s1 =	rddreg [dreg:$0x1];
	p0 =	sne.s32 s2, $0x0  }
0x47: {  	s3 =	rddreg [dreg:$0x2];
	[bflag:$0x3] =	sbarrier.arrive $0xFFFF;
	s2 =	simm.s32 @!p0 $0x1C01  }
0x48: {  	[timem:s3], [sflag:s2] =	dma.local @!p0 [hbm:s0], s1  }
0x49: {  	s0 =	simm.s32 @!p0 $0x1  }
0x4a: {  	_ =	swait.ge @!p0 [sflag:s0], s1  }
0x4b: {  	s1 =	ssub.s32 @!p0 $0x0, s1;
	[sflag:s0] =	ssyncset.done @!p0 $0x0  }
0x4c: {  	[sflag:s0] =	ssyncadd.s32 @!p0 s1  }
0x4d: {  	[bflag:$0x3] =	sbarrier.arrive $0xFFFF  }
0x4e: {  	_ =	shalt  }

// kernel: gather_offload_async_start.7
scs
__scs_entry_jumppad:
0x0: {  	(pc) =	sbr.rel $0x88, $3  }
0x1: {  	(tag) =	ssettag $0x0;
	lr =	simm.s32 $0x1  }
0x2: {  	[smem:$0x3F9D] =	sst lr;
	_ =	strace $0xD0000000  }
0x3: {  	_ = 	snop  }
0x4: {  	_ = 	snop  }
0x5: {  	_ = 	snop  }
0x6: {  	_ = 	snop  }
0x7: {  	_ = 	snop  }
__scs_overlays_trampoline_lowered:
0x8: {  	[smem:$0x3FAC] =	sst s0  }
0x9: {  	[smem:$0x3FAD] =	sst s1  }
0xa: {  	[smem:$0x3FAE] =	sst s2  }
0xb: {  	[smem:$0x3FAF] =	sst s3  }
0xc: {  	[smem:$0x3FB0] =	sst s4  }
0xd: {  	[smem:$0x3FB1] =	sst s5  }
0xe: {  	[smem:$0x3FB2] =	sst s6  }
0xf: {  	[smem:$0x3FB3] =	sst s7  }
0x10: {  	[smem:$0x3FB4] =	sst s8  }
0x11: {  	[smem:$0x3FB5] =	sst s9;
	s0 =	simm.s32 @!p0 $0x0  }
0x12: {  	s1 =	sld [smem:$0x3F9B];
	s0 =	simm.s32 @p0 $0x1  }
0x13: {  	[smem:$0x3FB6] =	sst s0;
	s0 =	simm.s32 @!p1 $0x0  }
0x14: {  	s2 =	sld [smem:$0x3F9A];
	s0 =	simm.s32 @p1 $0x1  }
0x15: {  	[smem:$0x3FB7] =	sst s0;
	s0 =	simm.s32 @!p2 $0x0  }
0x16: {  	s3 =	sld [smem:$0x3FDB];
	s0 =	simm.s32 @p2 $0x1  }
0x17: {  	s4 =	simm.s32 $0x1BF5;
	[smem:$0x3FB9] =	sst s0  }
0x18: {  	s0 =	sld [smem:$0x3F9C];
	_ =	swait.ge [sflag:s4], $0x0  }
0x19: {  	s7 =	sld [smem:$0x3F9D]  }
0x1a: {  	s8 =	sadd.s32 $0xFFFFE003, lr  }
0x1b: {  	s9 =	sadd.s32 $0xFFFFFEF7, lr;
	s5 =	simm.s32 $0xFFFFFFFF;
	p2 =	slt.u32 s8, $0xFFFFF086  }
0x1c: {  	p1 =	slt.u32 s9, $0xF7A;
	s5 =	simm.s32 @!p2 $0x0  }
0x1d: {  	s5 =	simm.s32 @p1 $0x1;
	p0 =	seq.s32 s7, s2  }
0x1e: {  	s7 =	smul.u32 @!p0 $0xF7A, s2;
	p2 =	seq.s32 @!p0 s5, $0x0  }
0x1f: {  	s9 =	smul.u32 $0xF7A, s1;
	s8 =	simm.s32 @!p0 $0x1BF5;
	p2 =	por !p2, p0  }
0x20: {  	[sflag:s8] =	ssyncset.s32 @!p0 $0xFFFFF086;
	s6 =	sadd.s32 @!p0 s3, s7;
	s7 =	simm.s32 @!p0 $0x108  }
0x21: {  	s3 =	sadd.s32 s3, s9;
	s6 =	sadd.s32 @!p0 $0x88, s6;
	s7 =	simm.s32 @p2 $0x1082  }
0x22: {  	[simem:s7], [sflag:s8] =	dma.local @!p0 [hbm:s6], $0xF7A  }
0x23: {  	s9 =	sor.u32 $0xD0000000, s2;
	s6 =	simm.s32 $0x108;
	_ =	swait.ge @!p0 [sflag:s8], $0x0  }
0x24: {  	s3 =	sadd.s32 $0x88, s3;
	s6 =	simm.s32 @!p1 $0x1082;
	[sflag:s4] =	ssyncset.s32 $0xFFFFF086  }
0x25: {  	[simem:s6], [sflag:s4] =	dma.local [hbm:s3], $0xF7A  }
0x26: {  	[smem:$0x3F9D] =	sst s1;
	(tag) =	ssettag s2;
	_ =	strace s9  }
0x27: {  	s1 =	sld [smem:$0x3FAD]  }
0x28: {  	s2 =	sld [smem:$0x3FAE]  }
0x29: {  	s4 =	sld [smem:$0x3FB0]  }
0x2a: {  	p0 =	seq.s32 s5, $0x0;
	s5 =	sld [smem:$0x3FB1]  }
0x2b: {  	s6 =	sld [smem:$0x3FB2]  }
0x2c: {  	s7 =	sld [smem:$0x3FB3]  }
0x2d: {  	s3 =	simm.s32 $0x108;
	s8 =	sld [smem:$0x3FB4]  }
0x2e: {  	s3 =	simm.s32 @!p0 $0x1082;
	s9 =	sld [smem:$0x3FB5]  }
0x2f: {  	lr =	sadd.s32 s0, s3;
	s0 =	sld [smem:$0x3FAC]  }
0x30: {  	s3 =	sld [smem:$0x3FAF]  }
0x31: {  	[smem:$0x3FB8] =	sst s10  }
0x32: {  	s10 =	sld [smem:$0x3FB6];
	_ =	sdelay $0x3  }
0x33: {  	p0 =	seq.s32 s10, $0x1;
	s10 =	sld [smem:$0x3FB8];
	_ =	sdelay $0x3  }
0x34: {  	[smem:$0x3FB8] =	sst s10  }
0x35: {  	s10 =	sld [smem:$0x3FB7];
	_ =	sdelay $0x3  }
0x36: {  	p1 =	seq.s32 s10, $0x1;
	s10 =	sld [smem:$0x3FB8];
	_ =	sdelay $0x3  }
0x37: {  	[smem:$0x3FB8] =	sst s10  }
0x38: {  	s10 =	sld [smem:$0x3FB9]  }
0x39: {  	_ = 	snop;
	(pc) =	sbr.ind lr, $3  }
0x3a: {  	_ = 	snop  }
0x3b: {  	_ = 	snop  }
0x3c: {  	p2 =	seq.s32 s10, $0x1;
	s10 =	sld [smem:$0x3FB8]  }
0x3d: {  	_ =	shalt  }
0x3e: {  	_ =	shalt  }
0x3f: {  	_ =	shalt  }
0x40: {  	_ =	shalt  }
0x41: {  	_ =	shalt  }
0x42: {  	_ =	shalt  }
0x43: {  	_ =	shalt  }
0x44: {  	_ =	shalt  }
0x45: {  	_ =	shalt  }
0x46: {  	_ =	shalt  }
0x47: {  	_ =	shalt  }
0x48: {  	_ =	shalt  }
0x49: {  	_ =	shalt  }
0x4a: {  	_ =	shalt  }
0x4b: {  	_ =	shalt  }
0x4c: {  	_ =	shalt  }
0x4d: {  	_ =	shalt  }
0x4e: {  	_ =	shalt  }
0x4f: {  	_ =	shalt  }
0x50: {  	_ =	shalt  }
0x51: {  	_ =	shalt  }
0x52: {  	_ =	shalt  }
0x53: {  	_ =	shalt  }
0x54: {  	_ =	shalt  }
0x55: {  	_ =	shalt  }
0x56: {  	_ =	shalt  }
0x57: {  	_ =	shalt  }
0x58: {  	_ =	shalt  }
0x59: {  	_ =	shalt  }
0x5a: {  	_ =	shalt  }
0x5b: {  	_ =	shalt  }
0x5c: {  	_ =	shalt  }
0x5d: {  	_ =	shalt  }
0x5e: {  	_ =	shalt  }
0x5f: {  	_ =	shalt  }
0x60: {  	_ =	shalt  }
0x61: {  	_ =	shalt  }
0x62: {  	_ =	shalt  }
0x63: {  	_ =	shalt  }
0x64: {  	_ =	shalt  }
0x65: {  	_ =	shalt  }
0x66: {  	_ =	shalt  }
0x67: {  	_ =	shalt  }
0x68: {  	_ =	shalt  }
0x69: {  	_ =	shalt  }
0x6a: {  	_ =	shalt  }
0x6b: {  	_ =	shalt  }
0x6c: {  	_ =	shalt  }
0x6d: {  	_ =	shalt  }
0x6e: {  	_ =	shalt  }
0x6f: {  	_ =	shalt  }
0x70: {  	_ =	shalt  }
0x71: {  	_ =	shalt  }
0x72: {  	_ =	shalt  }
0x73: {  	_ =	shalt  }
0x74: {  	_ =	shalt  }
0x75: {  	_ =	shalt  }
0x76: {  	_ =	shalt  }
0x77: {  	_ =	shalt  }
0x78: {  	_ =	shalt  }
0x79: {  	_ =	shalt  }
0x7a: {  	_ =	shalt  }
0x7b: {  	_ =	shalt  }
0x7c: {  	_ =	shalt  }
0x7d: {  	_ =	shalt  }
0x7e: {  	_ =	shalt  }
0x7f: {  	_ =	shalt  }
0x80: {  	_ =	shalt  }
0x81: {  	_ =	shalt  }
0x82: {  	_ =	shalt  }
0x83: {  	_ =	shalt  }
0x84: {  	_ =	shalt  }
0x85: {  	_ =	shalt  }
0x86: {  	_ =	shalt  }
0x87: {  	_ =	shalt  }
.Lfunc_end0:
.L_simem_size_0:
called_computation.7_lowered:
.L_overlay_start_0:
0x88: {  	s2 =	sld [smem:$0x3FD9]  }
0x89: {  	s3 =	sld [smem:$0x3FFE];
	_ =	sdelay $0x1  }
0x8a: {  	s1 =	srdreg.scid  }
0x8b: {  	s0 =	sand.u32 $0x1, s1  }
0x8c: {  	s16 =	sshll.u32 s0, $0xA;
	s2 =	sadd.s32 s3, s2  }
0x8d: {  	s2 =	sadd.s32 s2, s16  }
0x8e: {  	[smem:$0x3FC4] =	sst s2  }
0x8f: {  	_ = 	snop  }
0x90: {  	(tm) =	ssettm $0x1  }
0x91: {  	s17 =	sld [smem:$0x3FFB];
	_ =	sdelay $0x3  }
0x92: {  	_ =	strace s17  }
0x93: {  	s2 =	sld [smem:$0x3FFC];
	_ =	sdelay $0x3  }
0x94: {  	_ =	strace s2  }
0x95: {  	s2 =	sld [smem:$0x3FFD];
	_ =	sdelay $0x3  }
0x96: {  	_ =	strace s2  }
0x97: {  	_ =	strace $0x8FFFFFFF  }
0x98: {  	s18 =	sld [smem:$0x3FDB];
	_ =	sdelay $0x1  }
0x99: {  	s19 =	simm.s32 $_scs_section_size  }
0x9a: {  	s4 =	simm.s32 $_size__tile_overlayer_lowered;
	s5 =	simm.s32 $_tile_overlayer_lowered  }
0x9b: {  	s22 =	simm.s32 $0x1BFF;
	s21 =	sshll.u32 s5, $0x1;
	s2 =	sadd.s32 s19, s18  }
0x9c: {  	s6 =	simm.s32 $0x0;
	s20 =	sshll.u32 s4, $0x1;
	s4 =	sadd.s32 s21, s2  }
0x9d: {  	[timem:s6], [sflag:s22] =	dma.local [hbm:s4], s20  }
0x9e: {  	_ =	swait.ge [sflag:s22], s20  }
0x9f: {  	s3 =	ssub.s32 $0x0, s20;
	[sflag:s22] =	ssyncset.done $0x0  }
0xa0: {  	[sflag:s22] =	ssyncadd.s32 s3;
	_ =	sdelay $0x1  }
0xa1: {  	s23 =	simm.s32 $0x1B8B  }
0xa2: {  	_ =	swait.ge [sflag:s23], $0x1  }
0xa3: {  	[sflag:s23] =	ssyncset.done $0x0  }
0xa4: {  	s25 =	simm.s32 $0x1B8E;
	s24 =	sld [smem:$0x3FFE];
	[sflag:s23] =	ssyncadd.s32 $0xFFFFFFFF  }
0xa5: {  	s26 =	simm.s32 $execute0_lowered;
	[smem:$0x3FD2] =	sst s25  }
0xa6: {  	s4 =	sshll.u32 s26, $0x1;
	_ =	strace $0x8000004F;
	[dreg:$0x1] =	wrdreg $0xFFFFFFFF  }
0xa7: {  	s28 =	simm.s32 $_size_execute0_lowered;
	s2 =	sadd.s32 s2, s4;
	[dreg:$0x0] =	wrdreg $0x0  }
0xa8: {  	s4 =	sshll.u32 s28, $0x1;
	[dreg:$0x2] =	wrdreg s2  }
0xa9: {  	[dreg:$0x3] =	wrdreg s4  }
0xaa: {  	[dreg:$0x4] =	wrdreg $0xC0  }
0xab: {  	_ =	task [dreg:s6], $0x5FFFF  }
0xac: {  	[dreg:$0x1] =	wrdreg $0xFFFFFFFF  }
0xad: {  	[dreg:$0x0] =	wrdreg $0x60  }
0xae: {  	[dreg:$0x2] =	wrdreg s24  }
0xaf: {  	[dreg:$0x3] =	wrdreg $0xE  }
0xb0: {  	_ =	task.clear_ibuf [dreg:s6], $0x4FFFF;
	_ =	strace $0x9000004F  }
0xb1: {  	s29 =	simm.s32 $0xE;
	_ =	strace $0x80000051  }
0xb2: {  	_ =	swait.ge [sflag:s29], $0x1  }
0xb3: {  	[sflag:s29] =	ssyncadd.s32 $0xFFFFFFFF  }
0xb4: {  	_ =	strace $0x90000051  }
0xb5: {  	_ =	sfence  }
0xb6: {  	s30 =	sld [smem:$0x0];
	_ =	sdelay $0x2  }
0xb7: {  	s31 =	sshll.u32 s1, $0xD;
	s1 =	sshrl.u32 s1, $0x2  }
0xb8: {  	s3 =	sand.u32 $0x4000, s31;
	s1 =	sadd.s32 s1, s30  }
0xb9: {  	s0 =	sor.u32 s3, s0;
	s1 =	sshll.u32 s1, $0x11  }
0xba: {  	s0 =	sor.u32 s1, s0  }
0xbb: {  	s0 =	sadd.s32 $0x8F2B, s0  }
0xbc: {  	[sflag:s0] =	ssyncadd.remote.s32 $0x1  }
0xbd: {  	_ =	sfence.sel $0xFFFF  }
0xbe: {  	[dreg:$0x0] =	wrdreg $0xFFFFFFFF;
	(pc) =	sbr.abs _section_cstart, $3  }
0xbf: {  	[dreg:$0x1] =	wrdreg $0xFFFFFFFF  }
0xc0: {  	_ =	task.clear_ibuf [dreg:s6], $0x2FFFF;
	_ =	strace $0x9FFFFFFF  }
0xc1: {  	(tm) =	ssettm $0x7FFFFFFF  }
tec
execute0_lowered:
.L_overlay_start_1:
0x0: {  	(tag) =	ssettag $0x1  }
0x1: {  	s0 =	srdreg.scid;
	s5 =	rddreg [dreg:$0x0]  }
0x2: {  	s1 =	stileid.u32;
	s6 =	simm.s32 $0x1;
	s9 =	simm.s32 $0x1  }
0x3: {  	s10 =	simm.s32 $0x3;
	s13 =	simm.s32 $0x0;
	s2 =	sshll.u32 s0, $0x7  }
0x4: {  	s12 =	simm.s32 $0x0;
	s3 =	sshll.u32 s1, $0x8;
	s2 =	sand.u32 $0x80, s2  }
0x5: {  	s0 =	rddreg [dreg:$0x1];
	_ =	strace $0x80000050;
	s2 =	sor.u32 s3, s2  }
0x6: {  	s4 =	sadd.s32 $0x2000, s5;
	[sflag:s6] =	ssyncpa.u1 $0x0;
	s8 =	ssub.s32 $0x2000, s2  }
.Ltmp0:
0x7: {  	s3 =	sadd.s32 $0x1800, s5;
	s7 =	sand.u32 $0xF80, s8;
	(pc) =	sbr.rel .LBB2_1-.Ltmp0, $4  }
0x8: {  	s5 =	sadd.s32 $0x800, s5;
	s11 =	smov.u32 s2;
	p0 =	sne.s32 s7, $0x0  }
0x9: {  	s8 =	sshrl.u32 s8, $0xC;
	s7 =	simm.s32 $0x2;
	s9 =	simm.s32 @!p0 $0x0  }
0xa: {  	[sflag:s7] =	ssyncpa.u1 $0x0;
	p0 =	por $0x0, $0x0;
	s8 =	sadd.s32 s9, s8  }
0xb: {  	vm0 =	vmmov $0xffff;
	[sflag:s10] =	ssyncpa.u1 $0x0;
	s10 =	simm.s32 $0x0;
	s9 =	sadd.s32 $0x1, s8  }
.LBB2_4:
0xc: {  	v2 =	vnsel vm1, $0x0, v2  }
0xd: {  	vm1 =	vgt.s32 v0, $0x0;
	v2 =	vmin.u32 v2, $0x1FFF  }
0xe: {  	v0 =	vnsel vm1, $0x0, v0  }
0xf: {  	v0 =	vmin.u32 v0, $0x1FFF  }
0x10: {  	[tilespmem:s15], [sflag:$0x1] =	stream.indirect_vreg.gather [hbm4b:s3+s10], $0x1, v1, vm0, $0x4038;
	[tilespmem:$0x200] =	vst v63  }
0x11: {  	(ifvalue) =	ssetifvalue $0x7FFFFFFF  }
0x12: {  	[tilespmem:s16], [sflag:$0x1] =	stream.indirect_vreg.gather [hbm4b:s3+s10], $0x1, v2, vm0, $0x4038;
	[tilespmem:$0x200] =	vst v63  }
0x13: {  	s29 =	sadd.s32 $0x10, s16;
	(ifvalue) =	ssetifvalue $0x7FFFFFFF  }
0x14: {  	[tilespmem:s29], [sflag:$0x1] =	stream.indirect_vreg.gather [hbm4b:s3+s10], $0x1, v0, vm0, $0x4038;
	[tilespmem:$0x200] =	vst v63  }
0x15: {  	_ =	swait.ge [sflag:s6], $0x80  }
0x16: {  	s30 =	sshrl.u32 s13, $0x3;
	[sflag:s6] =	ssyncset.done $0x0  }
0x17: {  	s31 =	sand.u32 $0x7, s13;
	s15 =	sadd.s32 s5, s30;
	[sflag:s6] =	ssyncadd.s32 $0xFFFFFF80  }
0x18: {  	[hbm4b:s15+s31] =	stream.linear.scatter [tilespmem:s14], [sflag:$0x3], $0x80, $0x38;
	[tilespmem:$0x200] =	vst v63  }
.LBB2_5:
0x19: {  	s15 =	sadd.s32 $0x1000, s11  }
0x1a: {  	p2 =	sgt.s32 s15, $0x1FFF  }
0x1b: {  	s15 =	smov.u32 @p2 s2;
	p2 =	sne.s32 s12, s9  }
.Ltmp1:
0x1c: {  	p1 =	slt.u32 s12, $0x2;
	(pc) =	sbr.rel @!p2 .LBB2_6-.Ltmp1, $4  }
0x1d: {  	s14 =	simm.s32 @!p1 $0x3  }
0x1e: {  	s16 =	sadd.s32 $0x1, s12;
	_ =	swait.ge @!p1 [sflag:s14], $0x80  }
0x1f: {  	s13 =	smov.u32 s11;
	p0 =	por !p0, !p0;
	[sflag:s14] =	ssyncset.done @!p1 $0x0  }
0x20: {  	s12 =	smov.u32 s16;
	s11 =	smov.u32 s15;
	[sflag:s14] =	ssyncadd.s32 @!p1 $0xFFFFFF80  }
.LBB2_1:
0x21: {  	p1 =	sge.u32 s12, s8  }
0x22: {  	s14 =	sxor.u32 @!p1 $0xFFFFFFFF, s12  }
0x23: {  	s31 =	sadd.s32 $0xFFFFFFFF, s12;
	s15 =	sshrl.u32 @!p1 s11, $0x3;
	s14 =	sshll.u32 @!p1 s14, $0x7  }
0x24: {  	s16 =	sand.u32 @!p1 $0x7, s11;
	s15 =	sadd.s32 @!p1 s4, s15;
	s14 =	sand.u32 @!p1 $0x80, s14  }
0x25: {  	[tilespmem:s14], [sflag:$0x2] =	stream.linear.gather @!p1 [hbm4b:s15+s16], $0x80, $0x38;
	[tilespmem:$0x200] =	vst v63  }
0x26: {  	p1 =	sge.u32 s31, s8  }
.Ltmp2:
0x27: {  	_ = 	snop;
	(pc) =	sbr.rel @p1 .LBB2_5-.Ltmp2, $1  }
0x28: {  	_ =	sdelay $0x3  }
0x29: {  	s14 =	simm.s32 $0x1  }
0x2a: {  	_ =	swait.ge [sflag:s7], $0x80;
	s14 =	simm.s32 @!p0 $0x0  }
0x2b: {  	[sflag:s7] =	ssyncset.done $0x0;
	s14 =	sshll.u32 s14, $0x7  }
0x2c: {  	[sflag:s7] =	ssyncadd.s32 $0xFFFFFF80;
	(ifvalue) =	ssetifvalue $0x7FFFFFFF;
	v0 =	vld.msk [tilespmem:s14+$0x0 ss:$0x1], $0xffff;
	_ =	sdelay $0x4  }
0x2d: {  	s15 =	sadd.s32 $0x10, s14;
	vm1 =	vgt.s32 v0, $0x0  }
0x2e: {  	v2 =	vld.msk [tilespmem:s15+$0x0 ss:$0x1], $0xffff;
	v1 =	vnsel vm1, $0x0, v0  }
0x2f: {  	v1 =	vmin.u32 v1, $0x1FFF;
	_ =	sdelay $0x1  }
0x30: {  	s16 =	sshll.u32 s12, $0x7;
	s18 =	simm.s32 $0x20  }
0x31: {  	s16 =	sand.u32 $0x80, s16;
	s17 =	sadd.s32 $0x10, s15;
	s15 =	sor.u32 $0x100, s14  }
0x32: {  	s14 =	sor.u32 $0x100, s16;
	s16 =	sadd.s32 $0x10, s15;
	v0 =	vld.msk [tilespmem:s17+$0x0 ss:$0x1], $0xffff;
	vm1 =	vgt.s32 v2, $0x0;
	(ifvalue) =	ssetifvalue $0x7FFFFFFF  }
.LBB2_3:
0x33: {  	[tilespmem:s15], [sflag:$0x1] =	stream.indirect_vreg.gather [hbm4b:s3+s10], $0x1, v1, vm0, $0x4038;
	[tilespmem:$0x200] =	vst v63  }
0x34: {  	s18 =	sadd.s32 $0x10, s18  }
0x35: {  	v2 =	vnsel vm1, $0x0, v2;
	p1 =	slt.u32 s18, $0x70  }
.Ltmp3:
0x36: {  	s15 =	smov.u32 s16;
	v1 =	vmin.u32 v2, $0x1FFF;
	(pc) =	sbr.rel @p1 .LBB2_3-.Ltmp3, $3  }
0x37: {  	_ =	sdelay $0x1  }
0x38: {  	s17 =	sadd.s32 $0x10, s17  }
0x39: {  	vm1 =	vgt.s32 v0, $0x0;
	s16 =	sadd.s32 $0x10, s16;
	v2 =	vmov v0;
	(ifvalue) =	ssetifvalue $0x7FFFFFFF;
	v0 =	vld.msk [tilespmem:s17+$0x0 ss:$0x1], $0xffff  }
.Ltmp4:
0x3a: {  	_ = 	snop;
	(pc) =	sbr.rel .LBB2_4-.Ltmp4, $1  }
0x3b: {  	_ =	sdelay $0x3  }
.LBB2_6:
0x3c: {  	_ =	sfence.sel $0x180000  }
0x3d: {  	s2 =	simm.s32 $0x2;
	[bflag:$0x0] =	sbarrier.arrive $0xFFFF  }
0x3e: {  	s30 =	simm.s32 $0x3;
	[sflag:s2] =	ssyncpa.u1 $0x1  }
0x3f: {  	s31 =	simm.s32 $0x1;
	[sflag:s30] =	ssyncpa.u1 $0x1  }
0x40: {  	[sflag:s31] =	ssyncpa.u1 $0x1  }
0x41: {  	p0 =	sne.s32 s1, $0x0;
	_ =	strace $0x90000050  }
0x42: {  	s0 =	sadd.s32 @!p0 $0x100000, s0;
	[bflag:$0x2] =	sbarrier.arrive $0xFFFF  }
0x43: {  	[sflag:s0] =	ssyncadd.tile.s32 @!p0 $0x1;
	_ =	shalt  }
.Lfunc_end2:
_tile_overlayer_lowered:
.L_overlay_start_2:
0x44: {  	(tag) =	ssettag $0x2  }
0x45: {  	s0 =	rddreg [dreg:$0x0];
	s2 =	stileid.u32  }
0x46: {  	s1 =	rddreg [dreg:$0x1];
	p0 =	sne.s32 s2, $0x0  }
0x47: {  	s3 =	rddreg [dreg:$0x2];
	[bflag:$0x3] =	sbarrier.arrive $0xFFFF;
	s2 =	simm.s32 @!p0 $0x1C01  }
0x48: {  	[timem:s3], [sflag:s2] =	dma.local @!p0 [hbm:s0], s1  }
0x49: {  	s0 =	simm.s32 @!p0 $0x1  }
0x4a: {  	_ =	swait.ge @!p0 [sflag:s0], s1  }
0x4b: {  	s1 =	ssub.s32 @!p0 $0x0, s1;
	[sflag:s0] =	ssyncset.done @!p0 $0x0  }
0x4c: {  	[sflag:s0] =	ssyncadd.s32 @!p0 s1  }
0x4d: {  	[bflag:$0x3] =	sbarrier.arrive $0xFFFF  }
0x4e: {  	_ =	shalt  }

// kernel: gather_offload_async_start.8
scs
__scs_entry_jumppad:
0x0: {  	(pc) =	sbr.rel $0x88, $3  }
0x1: {  	(tag) =	ssettag $0x0;
	lr =	simm.s32 $0x1  }
0x2: {  	[smem:$0x3F9D] =	sst lr;
	_ =	strace $0xD0000000  }
0x3: {  	_ = 	snop  }
0x4: {  	_ = 	snop  }
0x5: {  	_ = 	snop  }
0x6: {  	_ = 	snop  }
0x7: {  	_ = 	snop  }
__scs_overlays_trampoline_lowered:
0x8: {  	[smem:$0x3FAC] =	sst s0  }
0x9: {  	[smem:$0x3FAD] =	sst s1  }
0xa: {  	[smem:$0x3FAE] =	sst s2  }
0xb: {  	[smem:$0x3FAF] =	sst s3  }
0xc: {  	[smem:$0x3FB0] =	sst s4  }
0xd: {  	[smem:$0x3FB1] =	sst s5  }
0xe: {  	[smem:$0x3FB2] =	sst s6  }
0xf: {  	[smem:$0x3FB3] =	sst s7  }
0x10: {  	[smem:$0x3FB4] =	sst s8  }
0x11: {  	[smem:$0x3FB5] =	sst s9;
	s0 =	simm.s32 @!p0 $0x0  }
0x12: {  	s1 =	sld [smem:$0x3F9B];
	s0 =	simm.s32 @p0 $0x1  }
0x13: {  	[smem:$0x3FB6] =	sst s0;
	s0 =	simm.s32 @!p1 $0x0  }
0x14: {  	s2 =	sld [smem:$0x3F9A];
	s0 =	simm.s32 @p1 $0x1  }
0x15: {  	[smem:$0x3FB7] =	sst s0;
	s0 =	simm.s32 @!p2 $0x0  }
0x16: {  	s3 =	sld [smem:$0x3FDB];
	s0 =	simm.s32 @p2 $0x1  }
0x17: {  	s4 =	simm.s32 $0x1BF5;
	[smem:$0x3FB9] =	sst s0  }
0x18: {  	s0 =	sld [smem:$0x3F9C];
	_ =	swait.ge [sflag:s4], $0x0  }
0x19: {  	s7 =	sld [smem:$0x3F9D]  }
0x1a: {  	s8 =	sadd.s32 $0xFFFFE003, lr  }
0x1b: {  	s9 =	sadd.s32 $0xFFFFFEF7, lr;
	s5 =	simm.s32 $0xFFFFFFFF;
	p2 =	slt.u32 s8, $0xFFFFF086  }
0x1c: {  	p1 =	slt.u32 s9, $0xF7A;
	s5 =	simm.s32 @!p2 $0x0  }
0x1d: {  	s5 =	simm.s32 @p1 $0x1;
	p0 =	seq.s32 s7, s2  }
0x1e: {  	s7 =	smul.u32 @!p0 $0xF7A, s2;
	p2 =	seq.s32 @!p0 s5, $0x0  }
0x1f: {  	s9 =	smul.u32 $0xF7A, s1;
	s8 =	simm.s32 @!p0 $0x1BF5;
	p2 =	por !p2, p0  }
0x20: {  	[sflag:s8] =	ssyncset.s32 @!p0 $0xFFFFF086;
	s6 =	sadd.s32 @!p0 s3, s7;
	s7 =	simm.s32 @!p0 $0x108  }
0x21: {  	s3 =	sadd.s32 s3, s9;
	s6 =	sadd.s32 @!p0 $0x88, s6;
	s7 =	simm.s32 @p2 $0x1082  }
0x22: {  	[simem:s7], [sflag:s8] =	dma.local @!p0 [hbm:s6], $0xF7A  }
0x23: {  	s9 =	sor.u32 $0xD0000000, s2;
	s6 =	simm.s32 $0x108;
	_ =	swait.ge @!p0 [sflag:s8], $0x0  }
0x24: {  	s3 =	sadd.s32 $0x88, s3;
	s6 =	simm.s32 @!p1 $0x1082;
	[sflag:s4] =	ssyncset.s32 $0xFFFFF086  }
0x25: {  	[simem:s6], [sflag:s4] =	dma.local [hbm:s3], $0xF7A  }
0x26: {  	[smem:$0x3F9D] =	sst s1;
	(tag) =	ssettag s2;
	_ =	strace s9  }
0x27: {  	s1 =	sld [smem:$0x3FAD]  }
0x28: {  	s2 =	sld [smem:$0x3FAE]  }
0x29: {  	s4 =	sld [smem:$0x3FB0]  }
0x2a: {  	p0 =	seq.s32 s5, $0x0;
	s5 =	sld [smem:$0x3FB1]  }
0x2b: {  	s6 =	sld [smem:$0x3FB2]  }
0x2c: {  	s7 =	sld [smem:$0x3FB3]  }
0x2d: {  	s3 =	simm.s32 $0x108;
	s8 =	sld [smem:$0x3FB4]  }
0x2e: {  	s3 =	simm.s32 @!p0 $0x1082;
	s9 =	sld [smem:$0x3FB5]  }
0x2f: {  	lr =	sadd.s32 s0, s3;
	s0 =	sld [smem:$0x3FAC]  }
0x30: {  	s3 =	sld [smem:$0x3FAF]  }
0x31: {  	[smem:$0x3FB8] =	sst s10  }
0x32: {  	s10 =	sld [smem:$0x3FB6];
	_ =	sdelay $0x3  }
0x33: {  	p0 =	seq.s32 s10, $0x1;
	s10 =	sld [smem:$0x3FB8];
	_ =	sdelay $0x3  }
0x34: {  	[smem:$0x3FB8] =	sst s10  }
0x35: {  	s10 =	sld [smem:$0x3FB7];
	_ =	sdelay $0x3  }
0x36: {  	p1 =	seq.s32 s10, $0x1;
	s10 =	sld [smem:$0x3FB8];
	_ =	sdelay $0x3  }
0x37: {  	[smem:$0x3FB8] =	sst s10  }
0x38: {  	s10 =	sld [smem:$0x3FB9]  }
0x39: {  	_ = 	snop;
	(pc) =	sbr.ind lr, $3  }
0x3a: {  	_ = 	snop  }
0x3b: {  	_ = 	snop  }
0x3c: {  	p2 =	seq.s32 s10, $0x1;
	s10 =	sld [smem:$0x3FB8]  }
0x3d: {  	_ =	shalt  }
0x3e: {  	_ =	shalt  }
0x3f: {  	_ =	shalt  }
0x40: {  	_ =	shalt  }
0x41: {  	_ =	shalt  }
0x42: {  	_ =	shalt  }
0x43: {  	_ =	shalt  }
0x44: {  	_ =	shalt  }
0x45: {  	_ =	shalt  }
0x46: {  	_ =	shalt  }
0x47: {  	_ =	shalt  }
0x48: {  	_ =	shalt  }
0x49: {  	_ =	shalt  }
0x4a: {  	_ =	shalt  }
0x4b: {  	_ =	shalt  }
0x4c: {  	_ =	shalt  }
0x4d: {  	_ =	shalt  }
0x4e: {  	_ =	shalt  }
0x4f: {  	_ =	shalt  }
0x50: {  	_ =	shalt  }
0x51: {  	_ =	shalt  }
0x52: {  	_ =	shalt  }
0x53: {  	_ =	shalt  }
0x54: {  	_ =	shalt  }
0x55: {  	_ =	shalt  }
0x56: {  	_ =	shalt  }
0x57: {  	_ =	shalt  }
0x58: {  	_ =	shalt  }
0x59: {  	_ =	shalt  }
0x5a: {  	_ =	shalt  }
0x5b: {  	_ =	shalt  }
0x5c: {  	_ =	shalt  }
0x5d: {  	_ =	shalt  }
0x5e: {  	_ =	shalt  }
0x5f: {  	_ =	shalt  }
0x60: {  	_ =	shalt  }
0x61: {  	_ =	shalt  }
0x62: {  	_ =	shalt  }
0x63: {  	_ =	shalt  }
0x64: {  	_ =	shalt  }
0x65: {  	_ =	shalt  }
0x66: {  	_ =	shalt  }
0x67: {  	_ =	shalt  }
0x68: {  	_ =	shalt  }
0x69: {  	_ =	shalt  }
0x6a: {  	_ =	shalt  }
0x6b: {  	_ =	shalt  }
0x6c: {  	_ =	shalt  }
0x6d: {  	_ =	shalt  }
0x6e: {  	_ =	shalt  }
0x6f: {  	_ =	shalt  }
0x70: {  	_ =	shalt  }
0x71: {  	_ =	shalt  }
0x72: {  	_ =	shalt  }
0x73: {  	_ =	shalt  }
0x74: {  	_ =	shalt  }
0x75: {  	_ =	shalt  }
0x76: {  	_ =	shalt  }
0x77: {  	_ =	shalt  }
0x78: {  	_ =	shalt  }
0x79: {  	_ =	shalt  }
0x7a: {  	_ =	shalt  }
0x7b: {  	_ =	shalt  }
0x7c: {  	_ =	shalt  }
0x7d: {  	_ =	shalt  }
0x7e: {  	_ =	shalt  }
0x7f: {  	_ =	shalt  }
0x80: {  	_ =	shalt  }
0x81: {  	_ =	shalt  }
0x82: {  	_ =	shalt  }
0x83: {  	_ =	shalt  }
0x84: {  	_ =	shalt  }
0x85: {  	_ =	shalt  }
0x86: {  	_ =	shalt  }
0x87: {  	_ =	shalt  }
.Lfunc_end0:
.L_simem_size_0:
called_computation.8_lowered:
.L_overlay_start_0:
0x88: {  	s2 =	sld [smem:$0x3FD9]  }
0x89: {  	s3 =	sld [smem:$0x3FFE];
	_ =	sdelay $0x1  }
0x8a: {  	s1 =	srdreg.scid  }
0x8b: {  	s0 =	sand.u32 $0x1, s1  }
0x8c: {  	s16 =	sshll.u32 s0, $0xA;
	s2 =	sadd.s32 s3, s2  }
0x8d: {  	s2 =	sadd.s32 s2, s16  }
0x8e: {  	[smem:$0x3FC4] =	sst s2  }
0x8f: {  	_ = 	snop  }
0x90: {  	(tm) =	ssettm $0x1  }
0x91: {  	s17 =	sld [smem:$0x3FFB];
	_ =	sdelay $0x3  }
0x92: {  	_ =	strace s17  }
0x93: {  	s2 =	sld [smem:$0x3FFC];
	_ =	sdelay $0x3  }
0x94: {  	_ =	strace s2  }
0x95: {  	s2 =	sld [smem:$0x3FFD];
	_ =	sdelay $0x3  }
0x96: {  	_ =	strace s2  }
0x97: {  	_ =	strace $0x8FFFFFFF  }
0x98: {  	s18 =	sld [smem:$0x3FDB];
	_ =	sdelay $0x1  }
0x99: {  	s19 =	simm.s32 $_scs_section_size  }
0x9a: {  	s4 =	simm.s32 $_size__tile_overlayer_lowered;
	s5 =	simm.s32 $_tile_overlayer_lowered  }
0x9b: {  	s22 =	simm.s32 $0x1BFF;
	s21 =	sshll.u32 s5, $0x1;
	s2 =	sadd.s32 s19, s18  }
0x9c: {  	s6 =	simm.s32 $0x0;
	s20 =	sshll.u32 s4, $0x1;
	s4 =	sadd.s32 s21, s2  }
0x9d: {  	[timem:s6], [sflag:s22] =	dma.local [hbm:s4], s20  }
0x9e: {  	_ =	swait.ge [sflag:s22], s20  }
0x9f: {  	s3 =	ssub.s32 $0x0, s20;
	[sflag:s22] =	ssyncset.done $0x0  }
0xa0: {  	[sflag:s22] =	ssyncadd.s32 s3;
	_ =	sdelay $0x1  }
0xa1: {  	s23 =	simm.s32 $0x1B8B  }
0xa2: {  	_ =	swait.ge [sflag:s23], $0x1  }
0xa3: {  	[sflag:s23] =	ssyncset.done $0x0  }
0xa4: {  	s25 =	simm.s32 $0x1B8E;
	s24 =	sld [smem:$0x3FFE];
	[sflag:s23] =	ssyncadd.s32 $0xFFFFFFFF  }
0xa5: {  	s26 =	simm.s32 $execute0_lowered;
	[smem:$0x3FD2] =	sst s25  }
0xa6: {  	s4 =	sshll.u32 s26, $0x1;
	_ =	strace $0x80000046;
	[dreg:$0x1] =	wrdreg $0xFFFFFFFF  }
0xa7: {  	s28 =	simm.s32 $_size_execute0_lowered;
	s2 =	sadd.s32 s2, s4;
	[dreg:$0x0] =	wrdreg $0x0  }
0xa8: {  	s4 =	sshll.u32 s28, $0x1;
	[dreg:$0x2] =	wrdreg s2  }
0xa9: {  	[dreg:$0x3] =	wrdreg s4  }
0xaa: {  	[dreg:$0x4] =	wrdreg $0xC0  }
0xab: {  	_ =	task [dreg:s6], $0x5FFFF  }
0xac: {  	[dreg:$0x1] =	wrdreg $0xFFFFFFFF  }
0xad: {  	[dreg:$0x0] =	wrdreg $0x60  }
0xae: {  	[dreg:$0x2] =	wrdreg s24  }
0xaf: {  	[dreg:$0x3] =	wrdreg $0x9  }
0xb0: {  	_ =	task.clear_ibuf [dreg:s6], $0x4FFFF;
	_ =	strace $0x90000046  }
0xb1: {  	s29 =	simm.s32 $0x9;
	_ =	strace $0x80000048  }
0xb2: {  	_ =	swait.ge [sflag:s29], $0x1  }
0xb3: {  	[sflag:s29] =	ssyncadd.s32 $0xFFFFFFFF  }
0xb4: {  	_ =	strace $0x90000048  }
0xb5: {  	_ =	sfence  }
0xb6: {  	s30 =	sld [smem:$0x0];
	_ =	sdelay $0x2  }
0xb7: {  	s31 =	sshll.u32 s1, $0xD;
	s1 =	sshrl.u32 s1, $0x2  }
0xb8: {  	s3 =	sand.u32 $0x4000, s31;
	s1 =	sadd.s32 s1, s30  }
0xb9: {  	s0 =	sor.u32 s3, s0;
	s1 =	sshll.u32 s1, $0x11  }
0xba: {  	s0 =	sor.u32 s1, s0  }
0xbb: {  	s0 =	sadd.s32 $0x8F2B, s0  }
0xbc: {  	[sflag:s0] =	ssyncadd.remote.s32 $0x1  }
0xbd: {  	_ =	sfence.sel $0xFFFF  }
0xbe: {  	[dreg:$0x0] =	wrdreg $0xFFFFFFFF;
	(pc) =	sbr.abs _section_cstart, $3  }
0xbf: {  	[dreg:$0x1] =	wrdreg $0xFFFFFFFF  }
0xc0: {  	_ =	task.clear_ibuf [dreg:s6], $0x2FFFF;
	_ =	strace $0x9FFFFFFF  }
0xc1: {  	(tm) =	ssettm $0x7FFFFFFF  }
tec
execute0_lowered:
.L_overlay_start_1:
0x0: {  	(tag) =	ssettag $0x1  }
0x1: {  	s0 =	srdreg.scid;
	s5 =	rddreg [dreg:$0x0]  }
0x2: {  	s1 =	stileid.u32;
	s6 =	simm.s32 $0x1;
	s9 =	simm.s32 $0x1  }
0x3: {  	s10 =	simm.s32 $0x3;
	s13 =	simm.s32 $0x0;
	s2 =	sshll.u32 s0, $0x7  }
0x4: {  	s12 =	simm.s32 $0x0;
	s3 =	sshll.u32 s1, $0x8;
	s2 =	sand.u32 $0x80, s2  }
0x5: {  	s0 =	rddreg [dreg:$0x1];
	_ =	strace $0x80000047;
	s2 =	sor.u32 s3, s2  }
0x6: {  	s4 =	sadd.s32 $0x2000, s5;
	[sflag:s6] =	ssyncpa.u1 $0x0;
	s8 =	ssub.s32 $0x2000, s2  }
.Ltmp0:
0x7: {  	s3 =	sadd.s32 $0x400, s5;
	s7 =	sand.u32 $0xF80, s8;
	(pc) =	sbr.rel .LBB2_1-.Ltmp0, $4  }
0x8: {  	s5 =	sadd.s32 $0x2400, s5;
	s11 =	smov.u32 s2;
	p0 =	sne.s32 s7, $0x0  }
0x9: {  	s8 =	sshrl.u32 s8, $0xC;
	s7 =	simm.s32 $0x2;
	s9 =	simm.s32 @!p0 $0x0  }
0xa: {  	[sflag:s7] =	ssyncpa.u1 $0x0;
	p0 =	por $0x0, $0x0;
	s8 =	sadd.s32 s9, s8  }
0xb: {  	vm0 =	vmmov $0xffff;
	[sflag:s10] =	ssyncpa.u1 $0x0;
	s10 =	simm.s32 $0x0;
	s9 =	sadd.s32 $0x1, s8  }
.LBB2_4:
0xc: {  	v2 =	vnsel vm1, $0x0, v2  }
0xd: {  	vm1 =	vgt.s32 v0, $0x0;
	v2 =	vmin.u32 v2, $0x1FFF  }
0xe: {  	v0 =	vnsel vm1, $0x0, v0  }
0xf: {  	v0 =	vmin.u32 v0, $0x1FFF  }
0x10: {  	[tilespmem:s15], [sflag:$0x1] =	stream.indirect_vreg.gather [hbm4b:s3+s10], $0x1, v1, vm0, $0x4038;
	[tilespmem:$0x200] =	vst v63  }
0x11: {  	(ifvalue) =	ssetifvalue $0x7FFFFFFF  }
0x12: {  	[tilespmem:s16], [sflag:$0x1] =	stream.indirect_vreg.gather [hbm4b:s3+s10], $0x1, v2, vm0, $0x4038;
	[tilespmem:$0x200] =	vst v63  }
0x13: {  	s29 =	sadd.s32 $0x10, s16;
	(ifvalue) =	ssetifvalue $0x7FFFFFFF  }
0x14: {  	[tilespmem:s29], [sflag:$0x1] =	stream.indirect_vreg.gather [hbm4b:s3+s10], $0x1, v0, vm0, $0x4038;
	[tilespmem:$0x200] =	vst v63  }
0x15: {  	_ =	swait.ge [sflag:s6], $0x80  }
0x16: {  	s30 =	sshrl.u32 s13, $0x3;
	[sflag:s6] =	ssyncset.done $0x0  }
0x17: {  	s31 =	sand.u32 $0x7, s13;
	s15 =	sadd.s32 s5, s30;
	[sflag:s6] =	ssyncadd.s32 $0xFFFFFF80  }
0x18: {  	[hbm4b:s15+s31] =	stream.linear.scatter [tilespmem:s14], [sflag:$0x3], $0x80, $0x38;
	[tilespmem:$0x200] =	vst v63  }
.LBB2_5:
0x19: {  	s15 =	sadd.s32 $0x1000, s11  }
0x1a: {  	p2 =	sgt.s32 s15, $0x1FFF  }
0x1b: {  	s15 =	smov.u32 @p2 s2;
	p2 =	sne.s32 s12, s9  }
.Ltmp1:
0x1c: {  	p1 =	slt.u32 s12, $0x2;
	(pc) =	sbr.rel @!p2 .LBB2_6-.Ltmp1, $4  }
0x1d: {  	s14 =	simm.s32 @!p1 $0x3  }
0x1e: {  	s16 =	sadd.s32 $0x1, s12;
	_ =	swait.ge @!p1 [sflag:s14], $0x80  }
0x1f: {  	s13 =	smov.u32 s11;
	p0 =	por !p0, !p0;
	[sflag:s14] =	ssyncset.done @!p1 $0x0  }
0x20: {  	s12 =	smov.u32 s16;
	s11 =	smov.u32 s15;
	[sflag:s14] =	ssyncadd.s32 @!p1 $0xFFFFFF80  }
.LBB2_1:
0x21: {  	p1 =	sge.u32 s12, s8  }
0x22: {  	s14 =	sxor.u32 @!p1 $0xFFFFFFFF, s12  }
0x23: {  	s31 =	sadd.s32 $0xFFFFFFFF, s12;
	s15 =	sshrl.u32 @!p1 s11, $0x3;
	s14 =	sshll.u32 @!p1 s14, $0x7  }
0x24: {  	s16 =	sand.u32 @!p1 $0x7, s11;
	s15 =	sadd.s32 @!p1 s4, s15;
	s14 =	sand.u32 @!p1 $0x80, s14  }
0x25: {  	[tilespmem:s14], [sflag:$0x2] =	stream.linear.gather @!p1 [hbm4b:s15+s16], $0x80, $0x38;
	[tilespmem:$0x200] =	vst v63  }
0x26: {  	p1 =	sge.u32 s31, s8  }
.Ltmp2:
0x27: {  	_ = 	snop;
	(pc) =	sbr.rel @p1 .LBB2_5-.Ltmp2, $1  }
0x28: {  	_ =	sdelay $0x3  }
0x29: {  	s14 =	simm.s32 $0x1  }
0x2a: {  	_ =	swait.ge [sflag:s7], $0x80;
	s14 =	simm.s32 @!p0 $0x0  }
0x2b: {  	[sflag:s7] =	ssyncset.done $0x0;
	s14 =	sshll.u32 s14, $0x7  }
0x2c: {  	[sflag:s7] =	ssyncadd.s32 $0xFFFFFF80;
	(ifvalue) =	ssetifvalue $0x7FFFFFFF;
	v0 =	vld.msk [tilespmem:s14+$0x0 ss:$0x1], $0xffff;
	_ =	sdelay $0x4  }
0x2d: {  	s15 =	sadd.s32 $0x10, s14;
	vm1 =	vgt.s32 v0, $0x0  }
0x2e: {  	v2 =	vld.msk [tilespmem:s15+$0x0 ss:$0x1], $0xffff;
	v1 =	vnsel vm1, $0x0, v0  }
0x2f: {  	v1 =	vmin.u32 v1, $0x1FFF;
	_ =	sdelay $0x1  }
0x30: {  	s16 =	sshll.u32 s12, $0x7;
	s18 =	simm.s32 $0x20  }
0x31: {  	s16 =	sand.u32 $0x80, s16;
	s17 =	sadd.s32 $0x10, s15;
	s15 =	sor.u32 $0x100, s14  }
0x32: {  	s14 =	sor.u32 $0x100, s16;
	s16 =	sadd.s32 $0x10, s15;
	v0 =	vld.msk [tilespmem:s17+$0x0 ss:$0x1], $0xffff;
	vm1 =	vgt.s32 v2, $0x0;
	(ifvalue) =	ssetifvalue $0x7FFFFFFF  }
.LBB2_3:
0x33: {  	[tilespmem:s15], [sflag:$0x1] =	stream.indirect_vreg.gather [hbm4b:s3+s10], $0x1, v1, vm0, $0x4038;
	[tilespmem:$0x200] =	vst v63  }
0x34: {  	s18 =	sadd.s32 $0x10, s18  }
0x35: {  	v2 =	vnsel vm1, $0x0, v2;
	p1 =	slt.u32 s18, $0x70  }
.Ltmp3:
0x36: {  	s15 =	smov.u32 s16;
	v1 =	vmin.u32 v2, $0x1FFF;
	(pc) =	sbr.rel @p1 .LBB2_3-.Ltmp3, $3  }
0x37: {  	_ =	sdelay $0x1  }
0x38: {  	s17 =	sadd.s32 $0x10, s17  }
0x39: {  	vm1 =	vgt.s32 v0, $0x0;
	s16 =	sadd.s32 $0x10, s16;
	v2 =	vmov v0;
	(ifvalue) =	ssetifvalue $0x7FFFFFFF;
	v0 =	vld.msk [tilespmem:s17+$0x0 ss:$0x1], $0xffff  }
.Ltmp4:
0x3a: {  	_ = 	snop;
	(pc) =	sbr.rel .LBB2_4-.Ltmp4, $1  }
0x3b: {  	_ =	sdelay $0x3  }
.LBB2_6:
0x3c: {  	_ =	sfence.sel $0x180000  }
0x3d: {  	s2 =	simm.s32 $0x2;
	[bflag:$0x0] =	sbarrier.arrive $0xFFFF  }
0x3e: {  	s30 =	simm.s32 $0x3;
	[sflag:s2] =	ssyncpa.u1 $0x1  }
0x3f: {  	s31 =	simm.s32 $0x1;
	[sflag:s30] =	ssyncpa.u1 $0x1  }
0x40: {  	[sflag:s31] =	ssyncpa.u1 $0x1  }
0x41: {  	p0 =	sne.s32 s1, $0x0;
	_ =	strace $0x90000047  }
0x42: {  	s0 =	sadd.s32 @!p0 $0x100000, s0;
	[bflag:$0x2] =	sbarrier.arrive $0xFFFF  }
0x43: {  	[sflag:s0] =	ssyncadd.tile.s32 @!p0 $0x1;
	_ =	shalt  }
.Lfunc_end2:
_tile_overlayer_lowered:
.L_overlay_start_2:
0x44: {  	(tag) =	ssettag $0x2  }
0x45: {  	s0 =	rddreg [dreg:$0x0];
	s2 =	stileid.u32  }
0x46: {  	s1 =	rddreg [dreg:$0x1];
	p0 =	sne.s32 s2, $0x0  }
0x47: {  	s3 =	rddreg [dreg:$0x2];
	[bflag:$0x3] =	sbarrier.arrive $0xFFFF;
	s2 =	simm.s32 @!p0 $0x1C01  }
0x48: {  	[timem:s3], [sflag:s2] =	dma.local @!p0 [hbm:s0], s1  }
0x49: {  	s0 =	simm.s32 @!p0 $0x1  }
0x4a: {  	_ =	swait.ge @!p0 [sflag:s0], s1  }
0x4b: {  	s1 =	ssub.s32 @!p0 $0x0, s1;
	[sflag:s0] =	ssyncset.done @!p0 $0x0  }
0x4c: {  	[sflag:s0] =	ssyncadd.s32 @!p0 s1  }
0x4d: {  	[bflag:$0x3] =	sbarrier.arrive $0xFFFF  }
0x4e: {  	_ =	shalt  }

// kernel: gather_offload_async_start
scs
__scs_entry_jumppad:
0x0: {  	(pc) =	sbr.rel $0x88, $3  }
0x1: {  	(tag) =	ssettag $0x0;
	lr =	simm.s32 $0x1  }
0x2: {  	[smem:$0x3F9D] =	sst lr;
	_ =	strace $0xD0000000  }
0x3: {  	_ = 	snop  }
0x4: {  	_ = 	snop  }
0x5: {  	_ = 	snop  }
0x6: {  	_ = 	snop  }
0x7: {  	_ = 	snop  }
__scs_overlays_trampoline_lowered:
0x8: {  	[smem:$0x3FAC] =	sst s0  }
0x9: {  	[smem:$0x3FAD] =	sst s1  }
0xa: {  	[smem:$0x3FAE] =	sst s2  }
0xb: {  	[smem:$0x3FAF] =	sst s3  }
0xc: {  	[smem:$0x3FB0] =	sst s4  }
0xd: {  	[smem:$0x3FB1] =	sst s5  }
0xe: {  	[smem:$0x3FB2] =	sst s6  }
0xf: {  	[smem:$0x3FB3] =	sst s7  }
0x10: {  	[smem:$0x3FB4] =	sst s8  }
0x11: {  	[smem:$0x3FB5] =	sst s9;
	s0 =	simm.s32 @!p0 $0x0  }
0x12: {  	s1 =	sld [smem:$0x3F9B];
	s0 =	simm.s32 @p0 $0x1  }
0x13: {  	[smem:$0x3FB6] =	sst s0;
	s0 =	simm.s32 @!p1 $0x0  }
0x14: {  	s2 =	sld [smem:$0x3F9A];
	s0 =	simm.s32 @p1 $0x1  }
0x15: {  	[smem:$0x3FB7] =	sst s0;
	s0 =	simm.s32 @!p2 $0x0  }
0x16: {  	s3 =	sld [smem:$0x3FDB];
	s0 =	simm.s32 @p2 $0x1  }
0x17: {  	s4 =	simm.s32 $0x1BF5;
	[smem:$0x3FB9] =	sst s0  }
0x18: {  	s0 =	sld [smem:$0x3F9C];
	_ =	swait.ge [sflag:s4], $0x0  }
0x19: {  	s7 =	sld [smem:$0x3F9D]  }
0x1a: {  	s8 =	sadd.s32 $0xFFFFE003, lr  }
0x1b: {  	s9 =	sadd.s32 $0xFFFFFEF7, lr;
	s5 =	simm.s32 $0xFFFFFFFF;
	p2 =	slt.u32 s8, $0xFFFFF086  }
0x1c: {  	p1 =	slt.u32 s9, $0xF7A;
	s5 =	simm.s32 @!p2 $0x0  }
0x1d: {  	s5 =	simm.s32 @p1 $0x1;
	p0 =	seq.s32 s7, s2  }
0x1e: {  	s7 =	smul.u32 @!p0 $0xF7A, s2;
	p2 =	seq.s32 @!p0 s5, $0x0  }
0x1f: {  	s9 =	smul.u32 $0xF7A, s1;
	s8 =	simm.s32 @!p0 $0x1BF5;
	p2 =	por !p2, p0  }
0x20: {  	[sflag:s8] =	ssyncset.s32 @!p0 $0xFFFFF086;
	s6 =	sadd.s32 @!p0 s3, s7;
	s7 =	simm.s32 @!p0 $0x108  }
0x21: {  	s3 =	sadd.s32 s3, s9;
	s6 =	sadd.s32 @!p0 $0x88, s6;
	s7 =	simm.s32 @p2 $0x1082  }
0x22: {  	[simem:s7], [sflag:s8] =	dma.local @!p0 [hbm:s6], $0xF7A  }
0x23: {  	s9 =	sor.u32 $0xD0000000, s2;
	s6 =	simm.s32 $0x108;
	_ =	swait.ge @!p0 [sflag:s8], $0x0  }
0x24: {  	s3 =	sadd.s32 $0x88, s3;
	s6 =	simm.s32 @!p1 $0x1082;
	[sflag:s4] =	ssyncset.s32 $0xFFFFF086  }
0x25: {  	[simem:s6], [sflag:s4] =	dma.local [hbm:s3], $0xF7A  }
0x26: {  	[smem:$0x3F9D] =	sst s1;
	(tag) =	ssettag s2;
	_ =	strace s9  }
0x27: {  	s1 =	sld [smem:$0x3FAD]  }
0x28: {  	s2 =	sld [smem:$0x3FAE]  }
0x29: {  	s4 =	sld [smem:$0x3FB0]  }
0x2a: {  	p0 =	seq.s32 s5, $0x0;
	s5 =	sld [smem:$0x3FB1]  }
0x2b: {  	s6 =	sld [smem:$0x3FB2]  }
0x2c: {  	s7 =	sld [smem:$0x3FB3]  }
0x2d: {  	s3 =	simm.s32 $0x108;
	s8 =	sld [smem:$0x3FB4]  }
0x2e: {  	s3 =	simm.s32 @!p0 $0x1082;
	s9 =	sld [smem:$0x3FB5]  }
0x2f: {  	lr =	sadd.s32 s0, s3;
	s0 =	sld [smem:$0x3FAC]  }
0x30: {  	s3 =	sld [smem:$0x3FAF]  }
0x31: {  	[smem:$0x3FB8] =	sst s10  }
0x32: {  	s10 =	sld [smem:$0x3FB6];
	_ =	sdelay $0x3  }
0x33: {  	p0 =	seq.s32 s10, $0x1;
	s10 =	sld [smem:$0x3FB8];
	_ =	sdelay $0x3  }
0x34: {  	[smem:$0x3FB8] =	sst s10  }
0x35: {  	s10 =	sld [smem:$0x3FB7];
	_ =	sdelay $0x3  }
0x36: {  	p1 =	seq.s32 s10, $0x1;
	s10 =	sld [smem:$0x3FB8];
	_ =	sdelay $0x3  }
0x37: {  	[smem:$0x3FB8] =	sst s10  }
0x38: {  	s10 =	sld [smem:$0x3FB9]  }
0x39: {  	_ = 	snop;
	(pc) =	sbr.ind lr, $3  }
0x3a: {  	_ = 	snop  }
0x3b: {  	_ = 	snop  }
0x3c: {  	p2 =	seq.s32 s10, $0x1;
	s10 =	sld [smem:$0x3FB8]  }
0x3d: {  	_ =	shalt  }
0x3e: {  	_ =	shalt  }
0x3f: {  	_ =	shalt  }
0x40: {  	_ =	shalt  }
0x41: {  	_ =	shalt  }
0x42: {  	_ =	shalt  }
0x43: {  	_ =	shalt  }
0x44: {  	_ =	shalt  }
0x45: {  	_ =	shalt  }
0x46: {  	_ =	shalt  }
0x47: {  	_ =	shalt  }
0x48: {  	_ =	shalt  }
0x49: {  	_ =	shalt  }
0x4a: {  	_ =	shalt  }
0x4b: {  	_ =	shalt  }
0x4c: {  	_ =	shalt  }
0x4d: {  	_ =	shalt  }
0x4e: {  	_ =	shalt  }
0x4f: {  	_ =	shalt  }
0x50: {  	_ =	shalt  }
0x51: {  	_ =	shalt  }
0x52: {  	_ =	shalt  }
0x53: {  	_ =	shalt  }
0x54: {  	_ =	shalt  }
0x55: {  	_ =	shalt  }
0x56: {  	_ =	shalt  }
0x57: {  	_ =	shalt  }
0x58: {  	_ =	shalt  }
0x59: {  	_ =	shalt  }
0x5a: {  	_ =	shalt  }
0x5b: {  	_ =	shalt  }
0x5c: {  	_ =	shalt  }
0x5d: {  	_ =	shalt  }
0x5e: {  	_ =	shalt  }
0x5f: {  	_ =	shalt  }
0x60: {  	_ =	shalt  }
0x61: {  	_ =	shalt  }
0x62: {  	_ =	shalt  }
0x63: {  	_ =	shalt  }
0x64: {  	_ =	shalt  }
0x65: {  	_ =	shalt  }
0x66: {  	_ =	shalt  }
0x67: {  	_ =	shalt  }
0x68: {  	_ =	shalt  }
0x69: {  	_ =	shalt  }
0x6a: {  	_ =	shalt  }
0x6b: {  	_ =	shalt  }
0x6c: {  	_ =	shalt  }
0x6d: {  	_ =	shalt  }
0x6e: {  	_ =	shalt  }
0x6f: {  	_ =	shalt  }
0x70: {  	_ =	shalt  }
0x71: {  	_ =	shalt  }
0x72: {  	_ =	shalt  }
0x73: {  	_ =	shalt  }
0x74: {  	_ =	shalt  }
0x75: {  	_ =	shalt  }
0x76: {  	_ =	shalt  }
0x77: {  	_ =	shalt  }
0x78: {  	_ =	shalt  }
0x79: {  	_ =	shalt  }
0x7a: {  	_ =	shalt  }
0x7b: {  	_ =	shalt  }
0x7c: {  	_ =	shalt  }
0x7d: {  	_ =	shalt  }
0x7e: {  	_ =	shalt  }
0x7f: {  	_ =	shalt  }
0x80: {  	_ =	shalt  }
0x81: {  	_ =	shalt  }
0x82: {  	_ =	shalt  }
0x83: {  	_ =	shalt  }
0x84: {  	_ =	shalt  }
0x85: {  	_ =	shalt  }
0x86: {  	_ =	shalt  }
0x87: {  	_ =	shalt  }
.Lfunc_end0:
.L_simem_size_0:
called_computation_lowered:
.L_overlay_start_0:
0x88: {  	s2 =	sld [smem:$0x3FD9]  }
0x89: {  	s3 =	sld [smem:$0x3FFE];
	_ =	sdelay $0x1  }
0x8a: {  	s1 =	srdreg.scid  }
0x8b: {  	s0 =	sand.u32 $0x1, s1  }
0x8c: {  	s17 =	sshll.u32 s0, $0xA;
	s2 =	sadd.s32 s3, s2  }
0x8d: {  	s2 =	sadd.s32 s2, s17  }
0x8e: {  	[smem:$0x3FC4] =	sst s2  }
0x8f: {  	_ = 	snop  }
0x90: {  	(tm) =	ssettm $0x1  }
0x91: {  	s18 =	sld [smem:$0x3FFB];
	_ =	sdelay $0x3  }
0x92: {  	_ =	strace s18  }
0x93: {  	s2 =	sld [smem:$0x3FFC];
	_ =	sdelay $0x3  }
0x94: {  	_ =	strace s2  }
0x95: {  	s2 =	sld [smem:$0x3FFD];
	_ =	sdelay $0x3  }
0x96: {  	_ =	strace s2  }
0x97: {  	_ =	strace $0x8FFFFFFF  }
0x98: {  	s19 =	sld [smem:$0x3FDB];
	_ =	sdelay $0x1  }
0x99: {  	s20 =	simm.s32 $_scs_section_size  }
0x9a: {  	s4 =	simm.s32 $_size__tile_overlayer_lowered;
	s5 =	simm.s32 $_tile_overlayer_lowered  }
0x9b: {  	s6 =	simm.s32 $0x1BFF;
	s21 =	sshll.u32 s5, $0x1;
	s3 =	sadd.s32 s20, s19  }
0x9c: {  	s22 =	simm.s32 $0x0;
	s4 =	sshll.u32 s4, $0x1;
	s5 =	sadd.s32 s21, s3  }
0x9d: {  	[timem:s22], [sflag:s6] =	dma.local [hbm:s5], s4  }
0x9e: {  	_ =	swait.ge [sflag:s6], s4  }
0x9f: {  	s4 =	ssub.s32 $0x0, s4;
	[sflag:s6] =	ssyncset.done $0x0  }
0xa0: {  	[sflag:s6] =	ssyncadd.s32 s4;
	_ =	sdelay $0x1  }
0xa1: {  	s23 =	simm.s32 $0x1B8B  }
0xa2: {  	_ =	swait.ge [sflag:s23], $0x1  }
0xa3: {  	[sflag:s23] =	ssyncset.done $0x0  }
0xa4: {  	[sflag:s23] =	ssyncadd.s32 $0xFFFFFFFF  }
0xa5: {  	s4 =	sld [smem:$0x0]  }
0xa6: {  	s5 =	sand.u32 $0xFFFFFFFE, s1  }
0xa7: {  	p0 =	sne.s32 s1, s5  }
0xa8: {  	s5 =	sshll.u32 @p0 s5, $0xE  }
0xa9: {  	s5 =	sadd.s32 @p0 $0x11B8D, s5;
	s6 =	sshll.u32 @p0 s4, $0x11  }
0xaa: {  	s5 =	sor.u32 @p0 s6, s5  }
0xab: {  	[sflag:s5] =	ssyncadd.remote.s32 @p0 $0x1;
	_ =	sdelay $0x1  }
0xac: {  	s5 =	simm.s32 @p0 $0x1B8D  }
0xad: {  	_ =	swait.eq @p0 [sflag:s5], $0x1  }
0xae: {  	[sflag:s5] =	ssyncadd.s32 @p0 $0xFFFFFFFF  }
0xaf: {  	s6 =	sshll.u32 @!p0 s1, $0xE  }
0xb0: {  	s6 =	sor.u32 @!p0 $0x4000, s6;
	s5 =	simm.s32 @!p0 $0x1B8D  }
0xb1: {  	s4 =	sshll.u32 @!p0 s4, $0x11;
	s6 =	sadd.s32 @!p0 $0x11B8D, s6;
	_ =	swait.eq @!p0 [sflag:s5], $0x1  }
0xb2: {  	s4 =	sor.u32 @!p0 s4, s6;
	[sflag:s5] =	ssyncadd.s32 @!p0 $0xFFFFFFFF  }
0xb3: {  	s25 =	simm.s32 $0x1B8E;
	s24 =	sld [smem:$0x3FFE];
	[sflag:s4] =	ssyncadd.remote.s32 @!p0 $0x1  }
0xb4: {  	s26 =	simm.s32 $execute0_lowered;
	[smem:$0x3FD2] =	sst s25  }
0xb5: {  	s5 =	sshll.u32 s26, $0x1;
	_ =	strace $0x8000005E;
	[dreg:$0x1] =	wrdreg $0xFFFFFFFF  }
0xb6: {  	s28 =	simm.s32 $_size_execute0_lowered;
	s3 =	sadd.s32 s3, s5;
	[dreg:$0x0] =	wrdreg $0x0  }
0xb7: {  	s5 =	sshll.u32 s28, $0x1;
	[dreg:$0x2] =	wrdreg s3  }
0xb8: {  	[dreg:$0x3] =	wrdreg s5  }
0xb9: {  	[dreg:$0x4] =	wrdreg $0xC0  }
0xba: {  	_ =	task [dreg:s22], $0x5FFFF  }
0xbb: {  	[dreg:$0x1] =	wrdreg $0xFFFFFFFF  }
0xbc: {  	[dreg:$0x0] =	wrdreg $0x60  }
0xbd: {  	[dreg:$0x2] =	wrdreg s24  }
0xbe: {  	[dreg:$0x3] =	wrdreg $0x9  }
0xbf: {  	_ =	task.clear_ibuf [dreg:s22], $0x4FFFF;
	_ =	strace $0x9000005E  }
0xc0: {  	s29 =	simm.s32 $0x9;
	_ =	strace $0x80000060  }
0xc1: {  	_ =	swait.ge [sflag:s29], $0x1  }
0xc2: {  	[sflag:s29] =	ssyncadd.s32 $0xFFFFFFFF  }
0xc3: {  	_ =	strace $0x90000060  }
0xc4: {  	_ =	sfence  }
0xc5: {  	s30 =	sld [smem:$0x0];
	_ =	sdelay $0x2  }
0xc6: {  	s31 =	sshll.u32 s1, $0xD;
	s1 =	sshrl.u32 s1, $0x2  }
0xc7: {  	s4 =	sand.u32 $0x4000, s31;
	s1 =	sadd.s32 s1, s30  }
0xc8: {  	s0 =	sor.u32 s4, s0;
	s1 =	sshll.u32 s1, $0x11  }
0xc9: {  	s0 =	sor.u32 s1, s0  }
0xca: {  	s0 =	sadd.s32 $0x8F2B, s0  }
0xcb: {  	[sflag:s0] =	ssyncadd.remote.s32 $0x1  }
0xcc: {  	_ =	sfence.sel $0xFFFF  }
0xcd: {  	[dreg:$0x0] =	wrdreg $0xFFFFFFFF;
	(pc) =	sbr.abs _section_cstart, $3  }
0xce: {  	[dreg:$0x1] =	wrdreg $0xFFFFFFFF  }
0xcf: {  	_ =	task.clear_ibuf [dreg:s22], $0x2FFFF;
	_ =	strace $0x9FFFFFFF  }
0xd0: {  	(tm) =	ssettm $0x7FFFFFFF  }
0xd1: {  	_ =	shalt  }
tec
execute0_lowered:
.L_overlay_start_1:
0x0: {  	(tag) =	ssettag $0x1  }
0x1: {  	s0 =	srdreg.scid;
	s5 =	rddreg [dreg:$0x0]  }
0x2: {  	s1 =	stileid.u32;
	s6 =	simm.s32 $0x1;
	s9 =	simm.s32 $0x1  }
0x3: {  	s10 =	simm.s32 $0x3;
	s13 =	simm.s32 $0x0;
	s2 =	sshll.u32 s0, $0x7  }
0x4: {  	s12 =	simm.s32 $0x0;
	s3 =	sshll.u32 s1, $0x8;
	s2 =	sand.u32 $0x80, s2  }
0x5: {  	s0 =	rddreg [dreg:$0x1];
	_ =	strace $0x8000005F;
	s2 =	sor.u32 s3, s2  }
0x6: {  	s4 =	sadd.s32 $0x2000, s5;
	[sflag:s6] =	ssyncpa.u1 $0x0;
	s8 =	ssub.s32 $0x2000, s2  }
.Ltmp0:
0x7: {  	s3 =	sadd.s32 $0x1C00, s5;
	s7 =	sand.u32 $0xF80, s8;
	(pc) =	sbr.rel .LBB2_1-.Ltmp0, $4  }
0x8: {  	s5 =	sadd.s32 $0x3400, s5;
	s11 =	smov.u32 s2;
	p0 =	sne.s32 s7, $0x0  }
0x9: {  	s8 =	sshrl.u32 s8, $0xC;
	s7 =	simm.s32 $0x2;
	s9 =	simm.s32 @!p0 $0x0  }
0xa: {  	[sflag:s7] =	ssyncpa.u1 $0x0;
	p0 =	por $0x0, $0x0;
	s8 =	sadd.s32 s9, s8  }
0xb: {  	vm0 =	vmmov $0xffff;
	[sflag:s10] =	ssyncpa.u1 $0x0;
	s10 =	simm.s32 $0x0;
	s9 =	sadd.s32 $0x1, s8  }
.LBB2_4:
0xc: {  	v2 =	vnsel vm1, $0x0, v2  }
0xd: {  	vm1 =	vgt.s32 v0, $0x0;
	v2 =	vmin.u32 v2, $0x1FFF  }
0xe: {  	v0 =	vnsel vm1, $0x0, v0  }
0xf: {  	v0 =	vmin.u32 v0, $0x1FFF  }
0x10: {  	[tilespmem:s15], [sflag:$0x1] =	stream.indirect_vreg.gather [hbm4b:s3+s10], $0x1, v1, vm0, $0x4038;
	[tilespmem:$0x200] =	vst v63  }
0x11: {  	(ifvalue) =	ssetifvalue $0x7FFFFFFF  }
0x12: {  	[tilespmem:s16], [sflag:$0x1] =	stream.indirect_vreg.gather [hbm4b:s3+s10], $0x1, v2, vm0, $0x4038;
	[tilespmem:$0x200] =	vst v63  }
0x13: {  	s29 =	sadd.s32 $0x10, s16;
	(ifvalue) =	ssetifvalue $0x7FFFFFFF  }
0x14: {  	[tilespmem:s29], [sflag:$0x1] =	stream.indirect_vreg.gather [hbm4b:s3+s10], $0x1, v0, vm0, $0x4038;
	[tilespmem:$0x200] =	vst v63  }
0x15: {  	_ =	swait.ge [sflag:s6], $0x80  }
0x16: {  	s30 =	sshrl.u32 s13, $0x3;
	[sflag:s6] =	ssyncset.done $0x0  }
0x17: {  	s31 =	sand.u32 $0x7, s13;
	s15 =	sadd.s32 s5, s30;
	[sflag:s6] =	ssyncadd.s32 $0xFFFFFF80  }
0x18: {  	[hbm4b:s15+s31] =	stream.linear.scatter [tilespmem:s14], [sflag:$0x3], $0x80, $0x38;
	[tilespmem:$0x200] =	vst v63  }
.LBB2_5:
0x19: {  	s15 =	sadd.s32 $0x1000, s11  }
0x1a: {  	p2 =	sgt.s32 s15, $0x1FFF  }
0x1b: {  	s15 =	smov.u32 @p2 s2;
	p2 =	sne.s32 s12, s9  }
.Ltmp1:
0x1c: {  	p1 =	slt.u32 s12, $0x2;
	(pc) =	sbr.rel @!p2 .LBB2_6-.Ltmp1, $4  }
0x1d: {  	s14 =	simm.s32 @!p1 $0x3  }
0x1e: {  	s16 =	sadd.s32 $0x1, s12;
	_ =	swait.ge @!p1 [sflag:s14], $0x80  }
0x1f: {  	s13 =	smov.u32 s11;
	p0 =	por !p0, !p0;
	[sflag:s14] =	ssyncset.done @!p1 $0x0  }
0x20: {  	s12 =	smov.u32 s16;
	s11 =	smov.u32 s15;
	[sflag:s14] =	ssyncadd.s32 @!p1 $0xFFFFFF80  }
.LBB2_1:
0x21: {  	p1 =	sge.u32 s12, s8  }
0x22: {  	s14 =	sxor.u32 @!p1 $0xFFFFFFFF, s12  }
0x23: {  	s31 =	sadd.s32 $0xFFFFFFFF, s12;
	s15 =	sshrl.u32 @!p1 s11, $0x3;
	s14 =	sshll.u32 @!p1 s14, $0x7  }
0x24: {  	s16 =	sand.u32 @!p1 $0x7, s11;
	s15 =	sadd.s32 @!p1 s4, s15;
	s14 =	sand.u32 @!p1 $0x80, s14  }
0x25: {  	[tilespmem:s14], [sflag:$0x2] =	stream.linear.gather @!p1 [hbm4b:s15+s16], $0x80, $0x38;
	[tilespmem:$0x200] =	vst v63  }
0x26: {  	p1 =	sge.u32 s31, s8  }
.Ltmp2:
0x27: {  	_ = 	snop;
	(pc) =	sbr.rel @p1 .LBB2_5-.Ltmp2, $1  }
0x28: {  	_ =	sdelay $0x3  }
0x29: {  	s14 =	simm.s32 $0x1  }
0x2a: {  	_ =	swait.ge [sflag:s7], $0x80;
	s14 =	simm.s32 @!p0 $0x0  }
0x2b: {  	[sflag:s7] =	ssyncset.done $0x0;
	s14 =	sshll.u32 s14, $0x7  }
0x2c: {  	[sflag:s7] =	ssyncadd.s32 $0xFFFFFF80;
	(ifvalue) =	ssetifvalue $0x7FFFFFFF;
	v0 =	vld.msk [tilespmem:s14+$0x0 ss:$0x1], $0xffff;
	_ =	sdelay $0x4  }
0x2d: {  	s15 =	sadd.s32 $0x10, s14;
	vm1 =	vgt.s32 v0, $0x0  }
0x2e: {  	v2 =	vld.msk [tilespmem:s15+$0x0 ss:$0x1], $0xffff;
	v1 =	vnsel vm1, $0x0, v0  }
0x2f: {  	v1 =	vmin.u32 v1, $0x1FFF;
	_ =	sdelay $0x1  }
0x30: {  	s16 =	sshll.u32 s12, $0x7;
	s18 =	simm.s32 $0x20  }
0x31: {  	s16 =	sand.u32 $0x80, s16;
	s17 =	sadd.s32 $0x10, s15;
	s15 =	sor.u32 $0x100, s14  }
0x32: {  	s14 =	sor.u32 $0x100, s16;
	s16 =	sadd.s32 $0x10, s15;
	v0 =	vld.msk [tilespmem:s17+$0x0 ss:$0x1], $0xffff;
	vm1 =	vgt.s32 v2, $0x0;
	(ifvalue) =	ssetifvalue $0x7FFFFFFF  }
.LBB2_3:
0x33: {  	[tilespmem:s15], [sflag:$0x1] =	stream.indirect_vreg.gather [hbm4b:s3+s10], $0x1, v1, vm0, $0x4038;
	[tilespmem:$0x200] =	vst v63  }
0x34: {  	s18 =	sadd.s32 $0x10, s18  }
0x35: {  	v2 =	vnsel vm1, $0x0, v2;
	p1 =	slt.u32 s18, $0x70  }
.Ltmp3:
0x36: {  	s15 =	smov.u32 s16;
	v1 =	vmin.u32 v2, $0x1FFF;
	(pc) =	sbr.rel @p1 .LBB2_3-.Ltmp3, $3  }
0x37: {  	_ =	sdelay $0x1  }
0x38: {  	s17 =	sadd.s32 $0x10, s17  }
0x39: {  	vm1 =	vgt.s32 v0, $0x0;
	s16 =	sadd.s32 $0x10, s16;
	v2 =	vmov v0;
	(ifvalue) =	ssetifvalue $0x7FFFFFFF;
	v0 =	vld.msk [tilespmem:s17+$0x0 ss:$0x1], $0xffff  }
.Ltmp4:
0x3a: {  	_ = 	snop;
	(pc) =	sbr.rel .LBB2_4-.Ltmp4, $1  }
0x3b: {  	_ =	sdelay $0x3  }
.LBB2_6:
0x3c: {  	_ =	sfence.sel $0x180000  }
0x3d: {  	s2 =	simm.s32 $0x2;
	[bflag:$0x0] =	sbarrier.arrive $0xFFFF  }
0x3e: {  	s30 =	simm.s32 $0x3;
	[sflag:s2] =	ssyncpa.u1 $0x1  }
0x3f: {  	s31 =	simm.s32 $0x1;
	[sflag:s30] =	ssyncpa.u1 $0x1  }
0x40: {  	[sflag:s31] =	ssyncpa.u1 $0x1  }
0x41: {  	p0 =	sne.s32 s1, $0x0;
	_ =	strace $0x9000005F  }
0x42: {  	s0 =	sadd.s32 @!p0 $0x100000, s0;
	[bflag:$0x2] =	sbarrier.arrive $0xFFFF  }
0x43: {  	[sflag:s0] =	ssyncadd.tile.s32 @!p0 $0x1;
	_ =	shalt  }
.Lfunc_end2:
_tile_overlayer_lowered:
.L_overlay_start_2:
0x44: {  	(tag) =	ssettag $0x2  }
0x45: {  	s0 =	rddreg [dreg:$0x0];
	s2 =	stileid.u32  }
0x46: {  	s1 =	rddreg [dreg:$0x1];
	p0 =	sne.s32 s2, $0x0  }
0x47: {  	s3 =	rddreg [dreg:$0x2];
	[bflag:$0x3] =	sbarrier.arrive $0xFFFF;
	s2 =	simm.s32 @!p0 $0x1C01  }
0x48: {  	[timem:s3], [sflag:s2] =	dma.local @!p0 [hbm:s0], s1  }
0x49: {  	s0 =	simm.s32 @!p0 $0x1  }
0x4a: {  	_ =	swait.ge @!p0 [sflag:s0], s1  }
0x4b: {  	s1 =	ssub.s32 @!p0 $0x0, s1;
	[sflag:s0] =	ssyncset.done @!p0 $0x0  }
0x4c: {  	[sflag:s0] =	ssyncadd.s32 @!p0 s1  }
0x4d: {  	[bflag:$0x3] =	sbarrier.arrive $0xFFFF  }
0x4e: {  	_ =	shalt  }

</sc_bundles>
